<compile_context>
chip_gen: v7x
topology: tpu7x:2x2x1
jax: 0.10.2.dev20260603
libtpu: 0.0.44.dev20260713+nightly
codegen_flags: <defaults>
</compile_context>

<pallas_src>
import jax
import jax.numpy as jnp
from jax import lax
from jax.experimental import pallas as pl
from jax.experimental.pallas import tpu as pltpu
from jax.experimental.pallas import tpu_sc as plsc

N_NODES = 10000
N_EDGES = 320000
D = 128

NC = 2
NS = 16
NW = NC * NS

C = 128
CH0 = 120
CH1 = 40
TOT_CHUNKS = NS * (CH0 + CH1)
E_PAD = TOT_CHUNKS * C
N_PAD = 10240
RPT = N_PAD // NS
NBUF = 2
DEG_CHUNKS = TOT_CHUNKS // NW


def _deg_body(dst_hbm, zeros_hbm, out_hbm, didx_all, ones_v, deg_sh, sem):
    c = lax.axis_index("c")
    s = lax.axis_index("s")
    wid = s * NC + c

    z0 = s * RPT
    pltpu.sync_copy(zeros_hbm.at[pl.ds(z0, RPT)], deg_sh.at[pl.ds(z0, RPT)])

    @pl.loop(0, C // 16)
    def _(j):
        ones_v[pl.ds(j * 16, 16)] = jnp.ones((16,), jnp.float32)

    pltpu.sync_copy(dst_hbm.at[pl.ds(wid * DEG_CHUNKS, DEG_CHUNKS)], didx_all)
    plsc.subcore_barrier()

    @pl.loop(0, DEG_CHUNKS)
    def _(k):
        pltpu.sync_copy(ones_v, deg_sh.at[didx_all.at[k]], add=True)

    plsc.subcore_barrier()
    o0 = pl.multiple_of(c * N_PAD + z0, 8)
    pltpu.sync_copy(deg_sh.at[pl.ds(z0, RPT)], out_hbm.at[pl.ds(o0, RPT)])


def _agg_chunk_loop(h_tab, src_hbm, acc_sh, didx_all, sidx, rows, gsems, isems,
                    e0, nch):
    for b in range(NBUF):
        pltpu.async_copy(src_hbm.at[pl.ds(pl.multiple_of(e0 + b * C, C), C)],
                         sidx[b], isems[b])
    for b in range(NBUF):
        pltpu.make_async_copy(src_hbm.at[pl.ds(0, C)], sidx[b], isems[b]).wait()
        pltpu.async_copy(h_tab.at[sidx[b]], rows[b], gsems[b])

    @pl.loop(0, nch - NBUF, step=NBUF)
    def _(j):
        for b in range(NBUF):
            k = j + b
            pltpu.make_async_copy(h_tab.at[pl.ds(0, C)], rows[b], gsems[b]).wait()
            pltpu.async_copy(
                src_hbm.at[pl.ds(pl.multiple_of(e0 + (k + NBUF) * C, C), C)],
                sidx[b], isems[b])
            pltpu.sync_copy(rows[b], acc_sh.at[didx_all.at[k]], add=True)
            pltpu.make_async_copy(src_hbm.at[pl.ds(0, C)], sidx[b], isems[b]).wait()
            pltpu.async_copy(h_tab.at[sidx[b]], rows[b], gsems[b])

    for b in range(NBUF):
        k = nch - NBUF + b
        pltpu.make_async_copy(h_tab.at[pl.ds(0, C)], rows[b], gsems[b]).wait()
        pltpu.sync_copy(rows[b], acc_sh.at[didx_all.at[k]], add=True)


def _agg_body(h_hbm, src_hbm, dst_hbm, zrows_hbm, out_hbm,
              didx_all, sidx0, sidx1, rows0, rows1,
              acc_sh, gsem0, gsem1, isem0, isem1):
    c = lax.axis_index("c")
    s = lax.axis_index("s")
    sidx = (sidx0, sidx1)
    rows = (rows0, rows1)
    gsems = (gsem0, gsem1)
    isems = (isem0, isem1)

    z0 = s * RPT
    pltpu.sync_copy(zrows_hbm.at[pl.ds(z0, RPT)], acc_sh.at[pl.ds(z0, RPT)])

    @pl.when(c == 0)
    def _():
        pltpu.sync_copy(dst_hbm.at[pl.ds(s * CH0, CH0)],
                        didx_all.at[pl.ds(0, CH0)])

    @pl.when(c == 1)
    def _():
        pltpu.sync_copy(dst_hbm.at[pl.ds(NS * CH0 + s * CH1, CH1)],
                        didx_all.at[pl.ds(0, CH1)])

    plsc.subcore_barrier()

    @pl.when(c == 0)
    def _():
        _agg_chunk_loop(h_hbm.at[0], src_hbm, acc_sh, didx_all, sidx, rows,
                        gsems, isems, s * CH0 * C, CH0)

    @pl.when(c == 1)
    def _():
        _agg_chunk_loop(h_hbm.at[1], src_hbm, acc_sh, didx_all, sidx, rows,
                        gsems, isems, (NS * CH0 + s * CH1) * C, CH1)

    plsc.subcore_barrier()
    pltpu.sync_copy(acc_sh.at[pl.ds(z0, RPT)], out_hbm.at[c, pl.ds(z0, RPT)])


def _h_body(feat_ref, d_ref, o_ref):
    deg = d_ref[:, 0:1] + d_ref[:, 1:2]
    norm = jax.lax.rsqrt(jnp.clip(deg, 1.0, None))
    hv = feat_ref[...] * norm
    o_ref[0] = hv
    o_ref[1] = hv


def _out_body(p0_ref, p1_ref, w_ref, d_ref, b_ref, o_ref):
    acc = p0_ref[...] + p1_ref[...]
    deg = d_ref[:, 0:1] + d_ref[:, 1:2]
    norm = jax.lax.rsqrt(jnp.clip(deg, 1.0, None))
    r = jnp.dot(acc, w_ref[...], preferred_element_type=jnp.float32)
    o_ref[...] = r * norm + b_ref[...]


def kernel(feat, edge_index, weight, bias):
    src = edge_index[0].astype(jnp.int32)
    dst = edge_index[1].astype(jnp.int32)

    pad = E_PAD - N_EDGES
    src_p = jnp.concatenate([src, jnp.zeros((pad,), jnp.int32)])
    dst_p = jnp.concatenate([dst, jnp.full((pad,), N_NODES, jnp.int32)])
    dst2d = dst_p.reshape(TOT_CHUNKS, C)

    zeros1 = jnp.zeros((N_PAD,), jnp.float32)
    zeros2 = jnp.zeros((N_PAD, D), jnp.float32)

    mesh = plsc.VectorSubcoreMesh(core_axis_name="c", subcore_axis_name="s")

    deg_k = pl.kernel(
        _deg_body,
        out_type=jax.ShapeDtypeStruct((NC * N_PAD,), jnp.float32),
        mesh=mesh,
        scratch_types=[
            pltpu.VMEM((DEG_CHUNKS, C), jnp.int32),
            pltpu.VMEM((C,), jnp.float32),
            pltpu.VMEM_SHARED((N_PAD,), jnp.float32),
            pltpu.SemaphoreType.DMA,
        ],
    )
    deg2 = deg_k(dst2d, zeros1).reshape(NC, N_PAD)
    deg_t = deg2.T[:N_NODES]

    h = pl.pallas_call(
        _h_body,
        out_shape=jax.ShapeDtypeStruct((NC, N_NODES, D), jnp.float32),
    )(feat, deg_t)

    agg_k = pl.kernel(
        _agg_body,
        out_type=jax.ShapeDtypeStruct((NC, N_PAD, D), jnp.float32),
        mesh=mesh,
        scratch_types=(
            [pltpu.VMEM((CH0, C), jnp.int32)]
            + [pltpu.VMEM((C,), jnp.int32)] * NBUF
            + [pltpu.VMEM((C, D), jnp.float32)] * NBUF
            + [pltpu.VMEM_SHARED((N_PAD, D), jnp.float32)]
            + [pltpu.SemaphoreType.DMA] * (2 * NBUF)
        ),
    )
    p2 = agg_k(h, src_p, dst2d, zeros2)

    out = pl.pallas_call(
        _out_body,
        out_shape=jax.ShapeDtypeStruct((N_NODES, D), jnp.float32),
    )(p2[0, :N_NODES], p2[1, :N_NODES], weight, deg_t, bias.reshape(1, D))
    return out

# --- scband reference (transcript-rebuilt; emitter-appended) ---
"""Pipeline reference for scband-graph-conv-18537078850015 (READ-ONLY COPY).

The authoritative reference and input builder live on the scoring server;
editing this copy changes nothing except your own understanding.
"""

import jax, jax.numpy as jnp
import numpy as np

N_NODES = 10000
N_EDGES = 320000
D_IN = 128
D_OUT = 128


def setup_inputs(seed: int = 0) -> dict:
    key = jax.random.key(seed)
    k1, k2, k3, k4 = jax.random.split(key, 4)
    feat = jax.random.normal(k1, (N_NODES, D_IN), dtype=jnp.float32)
    edge_index = jax.random.randint(k2, (2, N_EDGES), 0, N_NODES, dtype=jnp.int64)
    weight = jax.random.normal(k3, (D_IN, D_OUT), dtype=jnp.float32) * (1.0 / np.sqrt(D_IN))
    bias = jax.random.normal(k4, (D_OUT,), dtype=jnp.float32) * 0.01
    return {"feat": feat, "edge_index": edge_index, "weight": weight, "bias": bias}


def reference(feat, edge_index, weight, bias):
    # DGL GraphConv with norm='both'-style symmetric-ish normalization as written:
    # norm = in_degrees()^-0.5 (clamped to >=1), applied to feat before and after aggregation.
    src = edge_index[0]
    dst = edge_index[1]
    n = feat.shape[0]
    # in_degrees: number of incoming edges per node (count of dst occurrences)
    deg = jnp.bincount(dst, length=n).astype(jnp.float32)
    norm = jnp.power(jnp.clip(deg, 1.0, None), -0.5)
    norm = norm[:, None]
    feat = feat * norm
    # in_feats (128) > out_feats (128) is False -> aggregate first, then matmul
    msg = jnp.take(feat, src, axis=0)  # copy_src
    rst = jax.ops.segment_sum(msg, dst, num_segments=n)  # sum aggregation into dst
    rst = jnp.matmul(rst, weight)
    rst = rst * norm
    rst = rst + bias
    # activation is None
    return rst

if __name__ == "__main__":
    import jax
    _d = setup_inputs()
    print(jax.jit(kernel)(*tuple(_d.values())))

</pallas_src>

<mosaic_0001>
#map = affine_map<(d0, d1) -> (0, 0, 0)>
#map1 = affine_map<(d0, d1) -> (0)>
#map2 = affine_map<(d0, d1) -> (0, 0)>
module attributes {stable_mosaic.version = 14 : i64} {
  func.func @_agg_body(%arg0: i32, %arg1: i32, %arg2: memref<2x10000x128xf32, #tpu.memory_space<hbm>>, %arg3: memref<327680xi32, #tpu.memory_space<hbm>>, %arg4: memref<2560x128xi32, #tpu.memory_space<hbm>>, %arg5: memref<10240x128xf32, #tpu.memory_space<hbm>>, %arg6: memref<2x10240x128xf32, #tpu.memory_space<hbm>>, %arg7: memref<120x128xi32, #tpu.memory_space<vmem>>, %arg8: memref<128xi32, #tpu.memory_space<vmem>>, %arg9: memref<128xi32, #tpu.memory_space<vmem>>, %arg10: memref<128x128xf32, #tpu.memory_space<vmem>>, %arg11: memref<128x128xf32, #tpu.memory_space<vmem>>, %arg12: memref<10240x128xf32, #tpu.memory_space<vmem_shared>>, %arg13: memref<!tpu.dma_semaphore, #tpu.memory_space<semaphore_mem>>, %arg14: memref<!tpu.dma_semaphore, #tpu.memory_space<semaphore_mem>>, %arg15: memref<!tpu.dma_semaphore, #tpu.memory_space<semaphore_mem>>, %arg16: memref<!tpu.dma_semaphore, #tpu.memory_space<semaphore_mem>>) attributes {dimension_semantics = [#tpu.dimension_semantics<core_parallel>, #tpu.dimension_semantics<subcore_parallel>], iteration_bounds = array<i64: 2, 16>, scalar_prefetch = 0 : i64, scratch_operands = 10 : i64, tpu.core_type = #tpu.core_type<sc_vector_subcore>, window_params = [{transform_indices = #map}, {transform_indices = #map1}, {transform_indices = #map2}, {transform_indices = #map2}, {transform_indices = #map}]} {
    %mul3A = arith.constant 640 : i32
    %mul3A_0 = arith.muli %arg1, %mul3A : i32
    "tpu.region"() ({
      %run_scoped3A = tpu.sem_alloc : memref<!tpu.dma_semaphore, #tpu.memory_space<semaphore_mem>>
      %dma_start3A = arith.constant 0 : i32
      %dma_start3A_19 = tpu.memref_slice %arg12[%mul3A_0, %dma_start3A] : memref<10240x128xf32, #tpu.memory_space<vmem_shared>> -> memref<640x128xf32, #tpu.memory_space<vmem_shared>>
      %dma_start3A_20 = arith.constant 0 : i32
      %dma_start3A_21 = tpu.memref_slice %arg5[%mul3A_0, %dma_start3A_20] : memref<10240x128xf32, #tpu.memory_space<hbm>> -> memref<640x128xf32, #tpu.memory_space<hbm>>
      tpu.enqueue_dma source(%dma_start3A_21 : memref<640x128xf32, #tpu.memory_space<hbm>>) target(%dma_start3A_19 : memref<640x128xf32, #tpu.memory_space<vmem_shared>>) target_semaphore(%run_scoped3A : memref<!tpu.dma_semaphore, #tpu.memory_space<semaphore_mem>>)
      %dma_wait3A = arith.constant 0 : i32
      %dma_wait3A_22 = tpu.memref_slice %arg12[%mul3A_0, %dma_wait3A] : memref<10240x128xf32, #tpu.memory_space<vmem_shared>> -> memref<640x128xf32, #tpu.memory_space<vmem_shared>>
      %dma_wait3A_23 = arith.constant 0 : i32
      %dma_wait3A_24 = tpu.memref_slice %arg5[%mul3A_0, %dma_wait3A_23] : memref<10240x128xf32, #tpu.memory_space<hbm>> -> memref<640x128xf32, #tpu.memory_space<hbm>>
      tpu.wait_dma2 semaphore(%run_scoped3A : memref<!tpu.dma_semaphore, #tpu.memory_space<semaphore_mem>>) src(%dma_wait3A_24 : memref<640x128xf32, #tpu.memory_space<hbm>>) dst(%dma_wait3A_22 : memref<640x128xf32, #tpu.memory_space<vmem_shared>>)
      tpu.yield
    }) : () -> ()
    %eq3A = arith.constant 0 : i32
    %eq3A_1 = arith.cmpi eq, %arg0, %eq3A : i32
    %convert_element_type3A = arith.extui %eq3A_1 : i1 to i32
    %cond3A = arith.constant 0 : i32
    %cond3A_2 = arith.cmpi ne, %convert_element_type3A, %cond3A : i32
    scf.if %cond3A_2 {
      %mul3A_19 = arith.constant 120 : i32
      %mul3A_20 = arith.muli %arg1, %mul3A_19 : i32
      "tpu.region"() ({
        %run_scoped3A = tpu.sem_alloc : memref<!tpu.dma_semaphore, #tpu.memory_space<semaphore_mem>>
        %dma_start3A = arith.constant 0 : i32
        %dma_start3A_21 = arith.constant 0 : i32
        %dma_start3A_22 = tpu.memref_slice %arg7[%dma_start3A, %dma_start3A_21] : memref<120x128xi32, #tpu.memory_space<vmem>> -> memref<120x128xi32, #tpu.memory_space<vmem>>
        %dma_start3A_23 = arith.constant 0 : i32
        %dma_start3A_24 = tpu.memref_slice %arg4[%mul3A_20, %dma_start3A_23] : memref<2560x128xi32, #tpu.memory_space<hbm>> -> memref<120x128xi32, #tpu.memory_space<hbm>>
        %dma_start3A_25 = arith.constant 0 : i32
        %dma_start3A_26 = arith.constant 0 : i32
        %dma_start3A_27 = tpu.memref_slice %arg7[%dma_start3A_25, %dma_start3A_26] : memref<120x128xi32, #tpu.memory_space<vmem>> -> memref<120x128xi32, #tpu.memory_space<vmem>>
        %dma_start3A_28 = arith.constant 0 : i32
        %dma_start3A_29 = tpu.memref_slice %arg4[%mul3A_20, %dma_start3A_28] : memref<2560x128xi32, #tpu.memory_space<hbm>> -> memref<120x128xi32, #tpu.memory_space<hbm>>
        tpu.enqueue_dma source(%dma_start3A_29 : memref<120x128xi32, #tpu.memory_space<hbm>>) target(%dma_start3A_27 : memref<120x128xi32, #tpu.memory_space<vmem>>) target_semaphore(%run_scoped3A : memref<!tpu.dma_semaphore, #tpu.memory_space<semaphore_mem>>)
        %dma_wait3A = arith.constant 0 : i32
        %dma_wait3A_30 = arith.constant 0 : i32
        %dma_wait3A_31 = tpu.memref_slice %arg7[%dma_wait3A, %dma_wait3A_30] : memref<120x128xi32, #tpu.memory_space<vmem>> -> memref<120x128xi32, #tpu.memory_space<vmem>>
        %dma_wait3A_32 = arith.constant 0 : i32
        %dma_wait3A_33 = tpu.memref_slice %arg4[%mul3A_20, %dma_wait3A_32] : memref<2560x128xi32, #tpu.memory_space<hbm>> -> memref<120x128xi32, #tpu.memory_space<hbm>>
        %dma_wait3A_34 = arith.constant 0 : i32
        %dma_wait3A_35 = arith.constant 0 : i32
        %dma_wait3A_36 = tpu.memref_slice %arg7[%dma_wait3A_34, %dma_wait3A_35] : memref<120x128xi32, #tpu.memory_space<vmem>> -> memref<120x128xi32, #tpu.memory_space<vmem>>
        %dma_wait3A_37 = arith.constant 0 : i32
        %dma_wait3A_38 = tpu.memref_slice %arg4[%mul3A_20, %dma_wait3A_37] : memref<2560x128xi32, #tpu.memory_space<hbm>> -> memref<120x128xi32, #tpu.memory_space<hbm>>
        tpu.wait_dma2 semaphore(%run_scoped3A : memref<!tpu.dma_semaphore, #tpu.memory_space<semaphore_mem>>) src(%dma_wait3A_38 : memref<120x128xi32, #tpu.memory_space<hbm>>) dst(%dma_wait3A_36 : memref<120x128xi32, #tpu.memory_space<vmem>>)
        tpu.yield
      }) : () -> ()
    } else {
    }
    %eq3A_3 = arith.constant 1 : i32
    %eq3A_4 = arith.cmpi eq, %arg0, %eq3A_3 : i32
    %convert_element_type3A_5 = arith.extui %eq3A_4 : i1 to i32
    %cond3A_6 = arith.constant 0 : i32
    %cond3A_7 = arith.cmpi ne, %convert_element_type3A_5, %cond3A_6 : i32
    scf.if %cond3A_7 {
      %mul3A_19 = arith.constant 40 : i32
      %mul3A_20 = arith.muli %arg1, %mul3A_19 : i32
      %add3A = arith.constant 1920 : i32
      %add3A_21 = arith.addi %add3A, %mul3A_20 : i32
      "tpu.region"() ({
        %run_scoped3A = tpu.sem_alloc : memref<!tpu.dma_semaphore, #tpu.memory_space<semaphore_mem>>
        %dma_start3A = arith.constant 0 : i32
        %dma_start3A_22 = arith.constant 0 : i32
        %dma_start3A_23 = tpu.memref_slice %arg7[%dma_start3A, %dma_start3A_22] : memref<120x128xi32, #tpu.memory_space<vmem>> -> memref<40x128xi32, #tpu.memory_space<vmem>>
        %dma_start3A_24 = arith.constant 0 : i32
        %dma_start3A_25 = tpu.memref_slice %arg4[%add3A_21, %dma_start3A_24] : memref<2560x128xi32, #tpu.memory_space<hbm>> -> memref<40x128xi32, #tpu.memory_space<hbm>>
        %dma_start3A_26 = arith.constant 0 : i32
        %dma_start3A_27 = arith.constant 0 : i32
        %dma_start3A_28 = tpu.memref_slice %arg7[%dma_start3A_26, %dma_start3A_27] : memref<120x128xi32, #tpu.memory_space<vmem>> -> memref<40x128xi32, #tpu.memory_space<vmem>>
        %dma_start3A_29 = arith.constant 0 : i32
        %dma_start3A_30 = tpu.memref_slice %arg4[%add3A_21, %dma_start3A_29] : memref<2560x128xi32, #tpu.memory_space<hbm>> -> memref<40x128xi32, #tpu.memory_space<hbm>>
        tpu.enqueue_dma source(%dma_start3A_30 : memref<40x128xi32, #tpu.memory_space<hbm>>) target(%dma_start3A_28 : memref<40x128xi32, #tpu.memory_space<vmem>>) target_semaphore(%run_scoped3A : memref<!tpu.dma_semaphore, #tpu.memory_space<semaphore_mem>>)
        %dma_wait3A = arith.constant 0 : i32
        %dma_wait3A_31 = arith.constant 0 : i32
        %dma_wait3A_32 = tpu.memref_slice %arg7[%dma_wait3A, %dma_wait3A_31] : memref<120x128xi32, #tpu.memory_space<vmem>> -> memref<40x128xi32, #tpu.memory_space<vmem>>
        %dma_wait3A_33 = arith.constant 0 : i32
        %dma_wait3A_34 = tpu.memref_slice %arg4[%add3A_21, %dma_wait3A_33] : memref<2560x128xi32, #tpu.memory_space<hbm>> -> memref<40x128xi32, #tpu.memory_space<hbm>>
        %dma_wait3A_35 = arith.constant 0 : i32
        %dma_wait3A_36 = arith.constant 0 : i32
        %dma_wait3A_37 = tpu.memref_slice %arg7[%dma_wait3A_35, %dma_wait3A_36] : memref<120x128xi32, #tpu.memory_space<vmem>> -> memref<40x128xi32, #tpu.memory_space<vmem>>
        %dma_wait3A_38 = arith.constant 0 : i32
        %dma_wait3A_39 = tpu.memref_slice %arg4[%add3A_21, %dma_wait3A_38] : memref<2560x128xi32, #tpu.memory_space<hbm>> -> memref<40x128xi32, #tpu.memory_space<hbm>>
        tpu.wait_dma2 semaphore(%run_scoped3A : memref<!tpu.dma_semaphore, #tpu.memory_space<semaphore_mem>>) src(%dma_wait3A_39 : memref<40x128xi32, #tpu.memory_space<hbm>>) dst(%dma_wait3A_37 : memref<40x128xi32, #tpu.memory_space<vmem>>)
        tpu.yield
      }) : () -> ()
    } else {
    }
    %barrier3A = arith.constant 0 : index
    tpu.barrier barrier_id(%barrier3A)
    %eq3A_8 = arith.constant 0 : i32
    %eq3A_9 = arith.cmpi eq, %arg0, %eq3A_8 : i32
    %convert_element_type3A_10 = arith.extui %eq3A_9 : i1 to i32
    %cond3A_11 = arith.constant 0 : i32
    %cond3A_12 = arith.cmpi ne, %convert_element_type3A_10, %cond3A_11 : i32
    scf.if %cond3A_12 {
      %mul3A_19 = arith.constant 120 : i32
      %mul3A_20 = arith.muli %arg1, %mul3A_19 : i32
      %mul3A_21 = arith.constant 128 : i32
      %mul3A_22 = arith.muli %mul3A_20, %mul3A_21 : i32
      %add3A = arith.constant 0 : i32
      %add3A_23 = arith.addi %mul3A_22, %add3A : i32
      %multiple_of3A = tpu.assume_multiple %add3A_23, 128 : i32
      %dma_start3A = tpu.memref_slice %arg3[%multiple_of3A] : memref<327680xi32, #tpu.memory_space<hbm>> -> memref<128xi32, #tpu.memory_space<hbm>>
      %dma_start3A_24 = tpu.memref_slice %arg3[%multiple_of3A] : memref<327680xi32, #tpu.memory_space<hbm>> -> memref<128xi32, #tpu.memory_space<hbm>>
      tpu.enqueue_dma source(%dma_start3A_24 : memref<128xi32, #tpu.memory_space<hbm>>) target(%arg8 : memref<128xi32, #tpu.memory_space<vmem>>) target_semaphore(%arg15 : memref<!tpu.dma_semaphore, #tpu.memory_space<semaphore_mem>>)
      %add3A_25 = arith.constant 128 : i32
      %add3A_26 = arith.addi %mul3A_22, %add3A_25 : i32
      %multiple_of3A_27 = tpu.assume_multiple %add3A_26, 128 : i32
      %dma_start3A_28 = tpu.memref_slice %arg3[%multiple_of3A_27] : memref<327680xi32, #tpu.memory_space<hbm>> -> memref<128xi32, #tpu.memory_space<hbm>>
      %dma_start3A_29 = tpu.memref_slice %arg3[%multiple_of3A_27] : memref<327680xi32, #tpu.memory_space<hbm>> -> memref<128xi32, #tpu.memory_space<hbm>>
      tpu.enqueue_dma source(%dma_start3A_29 : memref<128xi32, #tpu.memory_space<hbm>>) target(%arg9 : memref<128xi32, #tpu.memory_space<vmem>>) target_semaphore(%arg16 : memref<!tpu.dma_semaphore, #tpu.memory_space<semaphore_mem>>)
      %dma_wait3A = arith.constant 0 : i32
      %dma_wait3A_30 = tpu.memref_slice %arg3[%dma_wait3A] : memref<327680xi32, #tpu.memory_space<hbm>> -> memref<128xi32, #tpu.memory_space<hbm>>
      %dma_wait3A_31 = arith.constant 0 : i32
      %dma_wait3A_32 = tpu.memref_slice %arg3[%dma_wait3A_31] : memref<327680xi32, #tpu.memory_space<hbm>> -> memref<128xi32, #tpu.memory_space<hbm>>
      tpu.wait_dma2 semaphore(%arg15 : memref<!tpu.dma_semaphore, #tpu.memory_space<semaphore_mem>>) src(%dma_wait3A_32 : memref<128xi32, #tpu.memory_space<hbm>>) dst(%arg8 : memref<128xi32, #tpu.memory_space<vmem>>)
      %dma_start3A_33 = arith.constant 0 : i32
      %dma_start3A_34 = arith.constant 0 : i32
      %dma_start3A_35 = arith.constant 0 : i32
      %dma_start3A_36 = tpu.memref_slice %arg2[%dma_start3A_33, %dma_start3A_34, %dma_start3A_35] : memref<2x10000x128xf32, #tpu.memory_space<hbm>> -> memref<1x10000x128xf32, #tpu.memory_space<hbm>>
      %dma_start3A_37 = tpu.memref_squeeze %dma_start3A_36 : memref<1x10000x128xf32, #tpu.memory_space<hbm>> -> memref<10000x128xf32, #tpu.memory_space<hbm>>
      %dma_start3A_38 = arith.constant 0 : i32
      %dma_start3A_39 = arith.constant 0 : i32
      %dma_start3A_40 = tpu.memref_slice %dma_start3A_37[%dma_start3A_38, %dma_start3A_39] : memref<10000x128xf32, #tpu.memory_space<hbm>> -> memref<10000x128xf32, #tpu.memory_space<hbm>>
      tpu.enqueue_indirect_dma source(%dma_start3A_40 : memref<10000x128xf32, #tpu.memory_space<hbm>>) target(%arg10 : memref<128x128xf32, #tpu.memory_space<vmem>>) offsets(%arg8 : memref<128xi32, #tpu.memory_space<vmem>>) semaphore(%arg13 : memref<!tpu.dma_semaphore, #tpu.memory_space<semaphore_mem>>)
      %dma_wait3A_41 = arith.constant 0 : i32
      %dma_wait3A_42 = tpu.memref_slice %arg3[%dma_wait3A_41] : memref<327680xi32, #tpu.memory_space<hbm>> -> memref<128xi32, #tpu.memory_space<hbm>>
      %dma_wait3A_43 = arith.constant 0 : i32
      %dma_wait3A_44 = tpu.memref_slice %arg3[%dma_wait3A_43] : memref<327680xi32, #tpu.memory_space<hbm>> -> memref<128xi32, #tpu.memory_space<hbm>>
      tpu.wait_dma2 semaphore(%arg16 : memref<!tpu.dma_semaphore, #tpu.memory_space<semaphore_mem>>) src(%dma_wait3A_44 : memref<128xi32, #tpu.memory_space<hbm>>) dst(%arg9 : memref<128xi32, #tpu.memory_space<vmem>>)
      %dma_start3A_45 = arith.constant 0 : i32
      %dma_start3A_46 = arith.constant 0 : i32
      %dma_start3A_47 = arith.constant 0 : i32
      %dma_start3A_48 = tpu.memref_slice %arg2[%dma_start3A_45, %dma_start3A_46, %dma_start3A_47] : memref<2x10000x128xf32, #tpu.memory_space<hbm>> -> memref<1x10000x128xf32, #tpu.memory_space<hbm>>
      %dma_start3A_49 = tpu.memref_squeeze %dma_start3A_48 : memref<1x10000x128xf32, #tpu.memory_space<hbm>> -> memref<10000x128xf32, #tpu.memory_space<hbm>>
      %dma_start3A_50 = arith.constant 0 : i32
      %dma_start3A_51 = arith.constant 0 : i32
      %dma_start3A_52 = tpu.memref_slice %dma_start3A_49[%dma_start3A_50, %dma_start3A_51] : memref<10000x128xf32, #tpu.memory_space<hbm>> -> memref<10000x128xf32, #tpu.memory_space<hbm>>
      tpu.enqueue_indirect_dma source(%dma_start3A_52 : memref<10000x128xf32, #tpu.memory_space<hbm>>) target(%arg11 : memref<128x128xf32, #tpu.memory_space<vmem>>) offsets(%arg9 : memref<128xi32, #tpu.memory_space<vmem>>) semaphore(%arg14 : memref<!tpu.dma_semaphore, #tpu.memory_space<semaphore_mem>>)
      %scan3A = arith.constant 0 : i32
      %scan3A_53 = arith.constant 0 : i32
      %scan3A_54 = arith.constant 59 : i32
      %scan3A_55 = arith.addi %scan3A_53, %scan3A_54 : i32
      %scan3A_56 = arith.constant 1 : i32
      scf.for %scan3A_89 = %scan3A_53 to %scan3A_55 step %scan3A_56  : i32 {
        %mul3A_90 = arith.constant 2 : i32
        %mul3A_91 = arith.muli %scan3A_89, %mul3A_90 : i32
        %add3A_92 = arith.constant 0 : i32
        %add3A_93 = arith.addi %add3A_92, %mul3A_91 : i32
        %add3A_94 = arith.constant 0 : i32
        %add3A_95 = arith.addi %add3A_93, %add3A_94 : i32
        %dma_wait3A_96 = arith.constant 0 : i32
        %dma_wait3A_97 = arith.constant 0 : i32
        %dma_wait3A_98 = tpu.memref_slice %arg2[%scan3A, %dma_wait3A_96, %dma_wait3A_97] : memref<2x10000x128xf32, #tpu.memory_space<hbm>> -> memref<1x10000x128xf32, #tpu.memory_space<hbm>>
        %dma_wait3A_99 = tpu.memref_squeeze %dma_wait3A_98 : memref<1x10000x128xf32, #tpu.memory_space<hbm>> -> memref<10000x128xf32, #tpu.memory_space<hbm>>
        %dma_wait3A_100 = arith.constant 0 : i32
        %dma_wait3A_101 = arith.constant 0 : i32
        %dma_wait3A_102 = tpu.memref_slice %dma_wait3A_99[%dma_wait3A_100, %dma_wait3A_101] : memref<10000x128xf32, #tpu.memory_space<hbm>> -> memref<128x128xf32, #tpu.memory_space<hbm>>
        %dma_wait3A_103 = arith.constant 0 : i32
        %dma_wait3A_104 = arith.constant 0 : i32
        %dma_wait3A_105 = tpu.memref_slice %arg2[%scan3A, %dma_wait3A_103, %dma_wait3A_104] : memref<2x10000x128xf32, #tpu.memory_space<hbm>> -> memref<1x10000x128xf32, #tpu.memory_space<hbm>>
        %dma_wait3A_106 = tpu.memref_squeeze %dma_wait3A_105 : memref<1x10000x128xf32, #tpu.memory_space<hbm>> -> memref<10000x128xf32, #tpu.memory_space<hbm>>
        %dma_wait3A_107 = arith.constant 0 : i32
        %dma_wait3A_108 = arith.constant 0 : i32
        %dma_wait3A_109 = tpu.memref_slice %dma_wait3A_106[%dma_wait3A_107, %dma_wait3A_108] : memref<10000x128xf32, #tpu.memory_space<hbm>> -> memref<128x128xf32, #tpu.memory_space<hbm>>
        tpu.wait_dma2 semaphore(%arg13 : memref<!tpu.dma_semaphore, #tpu.memory_space<semaphore_mem>>) src(%dma_wait3A_109 : memref<128x128xf32, #tpu.memory_space<hbm>>) dst(%arg10 : memref<128x128xf32, #tpu.memory_space<vmem>>)
        %add3A_110 = arith.constant 2 : i32
        %add3A_111 = arith.addi %add3A_95, %add3A_110 : i32
        %mul3A_112 = arith.constant 128 : i32
        %mul3A_113 = arith.muli %add3A_111, %mul3A_112 : i32
        %add3A_114 = arith.addi %mul3A_22, %mul3A_113 : i32
        %multiple_of3A_115 = tpu.assume_multiple %add3A_114, 128 : i32
        %dma_start3A_116 = tpu.memref_slice %arg3[%multiple_of3A_115] : memref<327680xi32, #tpu.memory_space<hbm>> -> memref<128xi32, #tpu.memory_space<hbm>>
        %dma_start3A_117 = tpu.memref_slice %arg3[%multiple_of3A_115] : memref<327680xi32, #tpu.memory_space<hbm>> -> memref<128xi32, #tpu.memory_space<hbm>>
        tpu.enqueue_dma source(%dma_start3A_117 : memref<128xi32, #tpu.memory_space<hbm>>) target(%arg8 : memref<128xi32, #tpu.memory_space<vmem>>) target_semaphore(%arg15 : memref<!tpu.dma_semaphore, #tpu.memory_space<semaphore_mem>>)
        "tpu.region"() ({
          %run_scoped3A_164 = tpu.sem_alloc : memref<!tpu.dma_semaphore, #tpu.memory_space<semaphore_mem>>
          %dma_start3A_165 = arith.constant 0 : i32
          %dma_start3A_166 = tpu.memref_slice %arg7[%add3A_95, %dma_start3A_165] : memref<120x128xi32, #tpu.memory_space<vmem>> -> memref<1x128xi32, #tpu.memory_space<vmem>>
          %dma_start3A_167 = tpu.memref_squeeze %dma_start3A_166 : memref<1x128xi32, #tpu.memory_space<vmem>> -> memref<128xi32, #tpu.memory_space<vmem>>
          %dma_start3A_168 = arith.constant 0 : i32
          %dma_start3A_169 = arith.constant 0 : i32
          %dma_start3A_170 = tpu.memref_slice %arg12[%dma_start3A_168, %dma_start3A_169] : memref<10240x128xf32, #tpu.memory_space<vmem_shared>> -> memref<10240x128xf32, #tpu.memory_space<vmem_shared>>
          tpu.enqueue_indirect_dma source(%arg10 : memref<128x128xf32, #tpu.memory_space<vmem>>) target(%dma_start3A_170 : memref<10240x128xf32, #tpu.memory_space<vmem_shared>>) offsets(%dma_start3A_167 : memref<128xi32, #tpu.memory_space<vmem>>) semaphore(%run_scoped3A_164 : memref<!tpu.dma_semaphore, #tpu.memory_space<semaphore_mem>>) {add = true}
          %dma_wait3A_171 = arith.constant 0 : i32
          %dma_wait3A_172 = tpu.memref_slice %arg7[%add3A_95, %dma_wait3A_171] : memref<120x128xi32, #tpu.memory_space<vmem>> -> memref<1x128xi32, #tpu.memory_space<vmem>>
          %dma_wait3A_173 = tpu.memref_squeeze %dma_wait3A_172 : memref<1x128xi32, #tpu.memory_space<vmem>> -> memref<128xi32, #tpu.memory_space<vmem>>
          %dma_wait3A_174 = arith.constant 0 : i32
          %dma_wait3A_175 = arith.constant 0 : i32
          %dma_wait3A_176 = tpu.memref_slice %arg12[%dma_wait3A_174, %dma_wait3A_175] : memref<10240x128xf32, #tpu.memory_space<vmem_shared>> -> memref<10240x128xf32, #tpu.memory_space<vmem_shared>>
          tpu.wait_indirect_dma semaphore(%run_scoped3A_164 : memref<!tpu.dma_semaphore, #tpu.memory_space<semaphore_mem>>) src(%arg10 : memref<128x128xf32, #tpu.memory_space<vmem>>) dst(%dma_wait3A_176 : memref<10240x128xf32, #tpu.memory_space<vmem_shared>>)
          tpu.yield
        }) : () -> ()
        %dma_wait3A_118 = arith.constant 0 : i32
        %dma_wait3A_119 = tpu.memref_slice %arg3[%dma_wait3A_118] : memref<327680xi32, #tpu.memory_space<hbm>> -> memref<128xi32, #tpu.memory_space<hbm>>
        %dma_wait3A_120 = arith.constant 0 : i32
        %dma_wait3A_121 = tpu.memref_slice %arg3[%dma_wait3A_120] : memref<327680xi32, #tpu.memory_space<hbm>> -> memref<128xi32, #tpu.memory_space<hbm>>
        tpu.wait_dma2 semaphore(%arg15 : memref<!tpu.dma_semaphore, #tpu.memory_space<semaphore_mem>>) src(%dma_wait3A_121 : memref<128xi32, #tpu.memory_space<hbm>>) dst(%arg8 : memref<128xi32, #tpu.memory_space<vmem>>)
        %dma_start3A_122 = arith.constant 0 : i32
        %dma_start3A_123 = arith.constant 0 : i32
        %dma_start3A_124 = tpu.memref_slice %arg2[%scan3A, %dma_start3A_122, %dma_start3A_123] : memref<2x10000x128xf32, #tpu.memory_space<hbm>> -> memref<1x10000x128xf32, #tpu.memory_space<hbm>>
        %dma_start3A_125 = tpu.memref_squeeze %dma_start3A_124 : memref<1x10000x128xf32, #tpu.memory_space<hbm>> -> memref<10000x128xf32, #tpu.memory_space<hbm>>
        %dma_start3A_126 = arith.constant 0 : i32
        %dma_start3A_127 = arith.constant 0 : i32
        %dma_start3A_128 = tpu.memref_slice %dma_start3A_125[%dma_start3A_126, %dma_start3A_127] : memref<10000x128xf32, #tpu.memory_space<hbm>> -> memref<10000x128xf32, #tpu.memory_space<hbm>>
        tpu.enqueue_indirect_dma source(%dma_start3A_128 : memref<10000x128xf32, #tpu.memory_space<hbm>>) target(%arg10 : memref<128x128xf32, #tpu.memory_space<vmem>>) offsets(%arg8 : memref<128xi32, #tpu.memory_space<vmem>>) semaphore(%arg13 : memref<!tpu.dma_semaphore, #tpu.memory_space<semaphore_mem>>)
        %add3A_129 = arith.constant 1 : i32
        %add3A_130 = arith.addi %add3A_93, %add3A_129 : i32
        %dma_wait3A_131 = arith.constant 0 : i32
        %dma_wait3A_132 = arith.constant 0 : i32
        %dma_wait3A_133 = tpu.memref_slice %arg2[%scan3A, %dma_wait3A_131, %dma_wait3A_132] : memref<2x10000x128xf32, #tpu.memory_space<hbm>> -> memref<1x10000x128xf32, #tpu.memory_space<hbm>>
        %dma_wait3A_134 = tpu.memref_squeeze %dma_wait3A_133 : memref<1x10000x128xf32, #tpu.memory_space<hbm>> -> memref<10000x128xf32, #tpu.memory_space<hbm>>
        %dma_wait3A_135 = arith.constant 0 : i32
        %dma_wait3A_136 = arith.constant 0 : i32
        %dma_wait3A_137 = tpu.memref_slice %dma_wait3A_134[%dma_wait3A_135, %dma_wait3A_136] : memref<10000x128xf32, #tpu.memory_space<hbm>> -> memref<128x128xf32, #tpu.memory_space<hbm>>
        %dma_wait3A_138 = arith.constant 0 : i32
        %dma_wait3A_139 = arith.constant 0 : i32
        %dma_wait3A_140 = tpu.memref_slice %arg2[%scan3A, %dma_wait3A_138, %dma_wait3A_139] : memref<2x10000x128xf32, #tpu.memory_space<hbm>> -> memref<1x10000x128xf32, #tpu.memory_space<hbm>>
        %dma_wait3A_141 = tpu.memref_squeeze %dma_wait3A_140 : memref<1x10000x128xf32, #tpu.memory_space<hbm>> -> memref<10000x128xf32, #tpu.memory_space<hbm>>
        %dma_wait3A_142 = arith.constant 0 : i32
        %dma_wait3A_143 = arith.constant 0 : i32
        %dma_wait3A_144 = tpu.memref_slice %dma_wait3A_141[%dma_wait3A_142, %dma_wait3A_143] : memref<10000x128xf32, #tpu.memory_space<hbm>> -> memref<128x128xf32, #tpu.memory_space<hbm>>
        tpu.wait_dma2 semaphore(%arg14 : memref<!tpu.dma_semaphore, #tpu.memory_space<semaphore_mem>>) src(%dma_wait3A_144 : memref<128x128xf32, #tpu.memory_space<hbm>>) dst(%arg11 : memref<128x128xf32, #tpu.memory_space<vmem>>)
        %add3A_145 = arith.constant 2 : i32
        %add3A_146 = arith.addi %add3A_130, %add3A_145 : i32
        %mul3A_147 = arith.constant 128 : i32
        %mul3A_148 = arith.muli %add3A_146, %mul3A_147 : i32
        %add3A_149 = arith.addi %mul3A_22, %mul3A_148 : i32
        %multiple_of3A_150 = tpu.assume_multiple %add3A_149, 128 : i32
        %dma_start3A_151 = tpu.memref_slice %arg3[%multiple_of3A_150] : memref<327680xi32, #tpu.memory_space<hbm>> -> memref<128xi32, #tpu.memory_space<hbm>>
        %dma_start3A_152 = tpu.memref_slice %arg3[%multiple_of3A_150] : memref<327680xi32, #tpu.memory_space<hbm>> -> memref<128xi32, #tpu.memory_space<hbm>>
        tpu.enqueue_dma source(%dma_start3A_152 : memref<128xi32, #tpu.memory_space<hbm>>) target(%arg9 : memref<128xi32, #tpu.memory_space<vmem>>) target_semaphore(%arg16 : memref<!tpu.dma_semaphore, #tpu.memory_space<semaphore_mem>>)
        "tpu.region"() ({
          %run_scoped3A_164 = tpu.sem_alloc : memref<!tpu.dma_semaphore, #tpu.memory_space<semaphore_mem>>
          %dma_start3A_165 = arith.constant 0 : i32
          %dma_start3A_166 = tpu.memref_slice %arg7[%add3A_130, %dma_start3A_165] : memref<120x128xi32, #tpu.memory_space<vmem>> -> memref<1x128xi32, #tpu.memory_space<vmem>>
          %dma_start3A_167 = tpu.memref_squeeze %dma_start3A_166 : memref<1x128xi32, #tpu.memory_space<vmem>> -> memref<128xi32, #tpu.memory_space<vmem>>
          %dma_start3A_168 = arith.constant 0 : i32
          %dma_start3A_169 = arith.constant 0 : i32
          %dma_start3A_170 = tpu.memref_slice %arg12[%dma_start3A_168, %dma_start3A_169] : memref<10240x128xf32, #tpu.memory_space<vmem_shared>> -> memref<10240x128xf32, #tpu.memory_space<vmem_shared>>
          tpu.enqueue_indirect_dma source(%arg11 : memref<128x128xf32, #tpu.memory_space<vmem>>) target(%dma_start3A_170 : memref<10240x128xf32, #tpu.memory_space<vmem_shared>>) offsets(%dma_start3A_167 : memref<128xi32, #tpu.memory_space<vmem>>) semaphore(%run_scoped3A_164 : memref<!tpu.dma_semaphore, #tpu.memory_space<semaphore_mem>>) {add = true}
          %dma_wait3A_171 = arith.constant 0 : i32
          %dma_wait3A_172 = tpu.memref_slice %arg7[%add3A_130, %dma_wait3A_171] : memref<120x128xi32, #tpu.memory_space<vmem>> -> memref<1x128xi32, #tpu.memory_space<vmem>>
          %dma_wait3A_173 = tpu.memref_squeeze %dma_wait3A_172 : memref<1x128xi32, #tpu.memory_space<vmem>> -> memref<128xi32, #tpu.memory_space<vmem>>
          %dma_wait3A_174 = arith.constant 0 : i32
          %dma_wait3A_175 = arith.constant 0 : i32
          %dma_wait3A_176 = tpu.memref_slice %arg12[%dma_wait3A_174, %dma_wait3A_175] : memref<10240x128xf32, #tpu.memory_space<vmem_shared>> -> memref<10240x128xf32, #tpu.memory_space<vmem_shared>>
          tpu.wait_indirect_dma semaphore(%run_scoped3A_164 : memref<!tpu.dma_semaphore, #tpu.memory_space<semaphore_mem>>) src(%arg11 : memref<128x128xf32, #tpu.memory_space<vmem>>) dst(%dma_wait3A_176 : memref<10240x128xf32, #tpu.memory_space<vmem_shared>>)
          tpu.yield
        }) : () -> ()
        %dma_wait3A_153 = arith.constant 0 : i32
        %dma_wait3A_154 = tpu.memref_slice %arg3[%dma_wait3A_153] : memref<327680xi32, #tpu.memory_space<hbm>> -> memref<128xi32, #tpu.memory_space<hbm>>
        %dma_wait3A_155 = arith.constant 0 : i32
        %dma_wait3A_156 = tpu.memref_slice %arg3[%dma_wait3A_155] : memref<327680xi32, #tpu.memory_space<hbm>> -> memref<128xi32, #tpu.memory_space<hbm>>
        tpu.wait_dma2 semaphore(%arg16 : memref<!tpu.dma_semaphore, #tpu.memory_space<semaphore_mem>>) src(%dma_wait3A_156 : memref<128xi32, #tpu.memory_space<hbm>>) dst(%arg9 : memref<128xi32, #tpu.memory_space<vmem>>)
        %dma_start3A_157 = arith.constant 0 : i32
        %dma_start3A_158 = arith.constant 0 : i32
        %dma_start3A_159 = tpu.memref_slice %arg2[%scan3A, %dma_start3A_157, %dma_start3A_158] : memref<2x10000x128xf32, #tpu.memory_space<hbm>> -> memref<1x10000x128xf32, #tpu.memory_space<hbm>>
        %dma_start3A_160 = tpu.memref_squeeze %dma_start3A_159 : memref<1x10000x128xf32, #tpu.memory_space<hbm>> -> memref<10000x128xf32, #tpu.memory_space<hbm>>
        %dma_start3A_161 = arith.constant 0 : i32
        %dma_start3A_162 = arith.constant 0 : i32
        %dma_start3A_163 = tpu.memref_slice %dma_start3A_160[%dma_start3A_161, %dma_start3A_162] : memref<10000x128xf32, #tpu.memory_space<hbm>> -> memref<10000x128xf32, #tpu.memory_space<hbm>>
        tpu.enqueue_indirect_dma source(%dma_start3A_163 : memref<10000x128xf32, #tpu.memory_space<hbm>>) target(%arg11 : memref<128x128xf32, #tpu.memory_space<vmem>>) offsets(%arg9 : memref<128xi32, #tpu.memory_space<vmem>>) semaphore(%arg14 : memref<!tpu.dma_semaphore, #tpu.memory_space<semaphore_mem>>)
      }
      %scan3A_57 = arith.constant 59 : i32
      %dma_wait3A_58 = arith.constant 0 : i32
      %dma_wait3A_59 = arith.constant 0 : i32
      %dma_wait3A_60 = arith.constant 0 : i32
      %dma_wait3A_61 = tpu.memref_slice %arg2[%dma_wait3A_58, %dma_wait3A_59, %dma_wait3A_60] : memref<2x10000x128xf32, #tpu.memory_space<hbm>> -> memref<1x10000x128xf32, #tpu.memory_space<hbm>>
      %dma_wait3A_62 = tpu.memref_squeeze %dma_wait3A_61 : memref<1x10000x128xf32, #tpu.memory_space<hbm>> -> memref<10000x128xf32, #tpu.memory_space<hbm>>
      %dma_wait3A_63 = arith.constant 0 : i32
      %dma_wait3A_64 = arith.constant 0 : i32
      %dma_wait3A_65 = tpu.memref_slice %dma_wait3A_62[%dma_wait3A_63, %dma_wait3A_64] : memref<10000x128xf32, #tpu.memory_space<hbm>> -> memref<128x128xf32, #tpu.memory_space<hbm>>
      %dma_wait3A_66 = arith.constant 0 : i32
      %dma_wait3A_67 = arith.constant 0 : i32
      %dma_wait3A_68 = tpu.memref_slice %arg2[%dma_wait3A_58, %dma_wait3A_66, %dma_wait3A_67] : memref<2x10000x128xf32, #tpu.memory_space<hbm>> -> memref<1x10000x128xf32, #tpu.memory_space<hbm>>
      %dma_wait3A_69 = tpu.memref_squeeze %dma_wait3A_68 : memref<1x10000x128xf32, #tpu.memory_space<hbm>> -> memref<10000x128xf32, #tpu.memory_space<hbm>>
      %dma_wait3A_70 = arith.constant 0 : i32
      %dma_wait3A_71 = arith.constant 0 : i32
      %dma_wait3A_72 = tpu.memref_slice %dma_wait3A_69[%dma_wait3A_70, %dma_wait3A_71] : memref<10000x128xf32, #tpu.memory_space<hbm>> -> memref<128x128xf32, #tpu.memory_space<hbm>>
      tpu.wait_dma2 semaphore(%arg13 : memref<!tpu.dma_semaphore, #tpu.memory_space<semaphore_mem>>) src(%dma_wait3A_72 : memref<128x128xf32, #tpu.memory_space<hbm>>) dst(%arg10 : memref<128x128xf32, #tpu.memory_space<vmem>>)
      %run_scoped3A = arith.constant 118 : i32
      "tpu.region"() ({
        %run_scoped3A_89 = tpu.sem_alloc : memref<!tpu.dma_semaphore, #tpu.memory_space<semaphore_mem>>
        %dma_start3A_90 = arith.constant 0 : i32
        %dma_start3A_91 = tpu.memref_slice %arg7[%run_scoped3A, %dma_start3A_90] : memref<120x128xi32, #tpu.memory_space<vmem>> -> memref<1x128xi32, #tpu.memory_space<vmem>>
        %dma_start3A_92 = tpu.memref_squeeze %dma_start3A_91 : memref<1x128xi32, #tpu.memory_space<vmem>> -> memref<128xi32, #tpu.memory_space<vmem>>
        %dma_start3A_93 = arith.constant 0 : i32
        %dma_start3A_94 = arith.constant 0 : i32
        %dma_start3A_95 = tpu.memref_slice %arg12[%dma_start3A_93, %dma_start3A_94] : memref<10240x128xf32, #tpu.memory_space<vmem_shared>> -> memref<10240x128xf32, #tpu.memory_space<vmem_shared>>
        tpu.enqueue_indirect_dma source(%arg10 : memref<128x128xf32, #tpu.memory_space<vmem>>) target(%dma_start3A_95 : memref<10240x128xf32, #tpu.memory_space<vmem_shared>>) offsets(%dma_start3A_92 : memref<128xi32, #tpu.memory_space<vmem>>) semaphore(%run_scoped3A_89 : memref<!tpu.dma_semaphore, #tpu.memory_space<semaphore_mem>>) {add = true}
        %dma_wait3A_96 = arith.constant 0 : i32
        %dma_wait3A_97 = tpu.memref_slice %arg7[%run_scoped3A, %dma_wait3A_96] : memref<120x128xi32, #tpu.memory_space<vmem>> -> memref<1x128xi32, #tpu.memory_space<vmem>>
        %dma_wait3A_98 = tpu.memref_squeeze %dma_wait3A_97 : memref<1x128xi32, #tpu.memory_space<vmem>> -> memref<128xi32, #tpu.memory_space<vmem>>
        %dma_wait3A_99 = arith.constant 0 : i32
        %dma_wait3A_100 = arith.constant 0 : i32
        %dma_wait3A_101 = tpu.memref_slice %arg12[%dma_wait3A_99, %dma_wait3A_100] : memref<10240x128xf32, #tpu.memory_space<vmem_shared>> -> memref<10240x128xf32, #tpu.memory_space<vmem_shared>>
        tpu.wait_indirect_dma semaphore(%run_scoped3A_89 : memref<!tpu.dma_semaphore, #tpu.memory_space<semaphore_mem>>) src(%arg10 : memref<128x128xf32, #tpu.memory_space<vmem>>) dst(%dma_wait3A_101 : memref<10240x128xf32, #tpu.memory_space<vmem_shared>>)
        tpu.yield
      }) : () -> ()
      %dma_wait3A_73 = arith.constant 0 : i32
      %dma_wait3A_74 = arith.constant 0 : i32
      %dma_wait3A_75 = arith.constant 0 : i32
      %dma_wait3A_76 = tpu.memref_slice %arg2[%dma_wait3A_73, %dma_wait3A_74, %dma_wait3A_75] : memref<2x10000x128xf32, #tpu.memory_space<hbm>> -> memref<1x10000x128xf32, #tpu.memory_space<hbm>>
      %dma_wait3A_77 = tpu.memref_squeeze %dma_wait3A_76 : memref<1x10000x128xf32, #tpu.memory_space<hbm>> -> memref<10000x128xf32, #tpu.memory_space<hbm>>
      %dma_wait3A_78 = arith.constant 0 : i32
      %dma_wait3A_79 = arith.constant 0 : i32
      %dma_wait3A_80 = tpu.memref_slice %dma_wait3A_77[%dma_wait3A_78, %dma_wait3A_79] : memref<10000x128xf32, #tpu.memory_space<hbm>> -> memref<128x128xf32, #tpu.memory_space<hbm>>
      %dma_wait3A_81 = arith.constant 0 : i32
      %dma_wait3A_82 = arith.constant 0 : i32
      %dma_wait3A_83 = tpu.memref_slice %arg2[%dma_wait3A_73, %dma_wait3A_81, %dma_wait3A_82] : memref<2x10000x128xf32, #tpu.memory_space<hbm>> -> memref<1x10000x128xf32, #tpu.memory_space<hbm>>
      %dma_wait3A_84 = tpu.memref_squeeze %dma_wait3A_83 : memref<1x10000x128xf32, #tpu.memory_space<hbm>> -> memref<10000x128xf32, #tpu.memory_space<hbm>>
      %dma_wait3A_85 = arith.constant 0 : i32
      %dma_wait3A_86 = arith.constant 0 : i32
      %dma_wait3A_87 = tpu.memref_slice %dma_wait3A_84[%dma_wait3A_85, %dma_wait3A_86] : memref<10000x128xf32, #tpu.memory_space<hbm>> -> memref<128x128xf32, #tpu.memory_space<hbm>>
      tpu.wait_dma2 semaphore(%arg14 : memref<!tpu.dma_semaphore, #tpu.memory_space<semaphore_mem>>) src(%dma_wait3A_87 : memref<128x128xf32, #tpu.memory_space<hbm>>) dst(%arg11 : memref<128x128xf32, #tpu.memory_space<vmem>>)
      %run_scoped3A_88 = arith.constant 119 : i32
      "tpu.region"() ({
        %run_scoped3A_89 = tpu.sem_alloc : memref<!tpu.dma_semaphore, #tpu.memory_space<semaphore_mem>>
        %dma_start3A_90 = arith.constant 0 : i32
        %dma_start3A_91 = tpu.memref_slice %arg7[%run_scoped3A_88, %dma_start3A_90] : memref<120x128xi32, #tpu.memory_space<vmem>> -> memref<1x128xi32, #tpu.memory_space<vmem>>
        %dma_start3A_92 = tpu.memref_squeeze %dma_start3A_91 : memref<1x128xi32, #tpu.memory_space<vmem>> -> memref<128xi32, #tpu.memory_space<vmem>>
        %dma_start3A_93 = arith.constant 0 : i32
        %dma_start3A_94 = arith.constant 0 : i32
        %dma_start3A_95 = tpu.memref_slice %arg12[%dma_start3A_93, %dma_start3A_94] : memref<10240x128xf32, #tpu.memory_space<vmem_shared>> -> memref<10240x128xf32, #tpu.memory_space<vmem_shared>>
        tpu.enqueue_indirect_dma source(%arg11 : memref<128x128xf32, #tpu.memory_space<vmem>>) target(%dma_start3A_95 : memref<10240x128xf32, #tpu.memory_space<vmem_shared>>) offsets(%dma_start3A_92 : memref<128xi32, #tpu.memory_space<vmem>>) semaphore(%run_scoped3A_89 : memref<!tpu.dma_semaphore, #tpu.memory_space<semaphore_mem>>) {add = true}
        %dma_wait3A_96 = arith.constant 0 : i32
        %dma_wait3A_97 = tpu.memref_slice %arg7[%run_scoped3A_88, %dma_wait3A_96] : memref<120x128xi32, #tpu.memory_space<vmem>> -> memref<1x128xi32, #tpu.memory_space<vmem>>
        %dma_wait3A_98 = tpu.memref_squeeze %dma_wait3A_97 : memref<1x128xi32, #tpu.memory_space<vmem>> -> memref<128xi32, #tpu.memory_space<vmem>>
        %dma_wait3A_99 = arith.constant 0 : i32
        %dma_wait3A_100 = arith.constant 0 : i32
        %dma_wait3A_101 = tpu.memref_slice %arg12[%dma_wait3A_99, %dma_wait3A_100] : memref<10240x128xf32, #tpu.memory_space<vmem_shared>> -> memref<10240x128xf32, #tpu.memory_space<vmem_shared>>
        tpu.wait_indirect_dma semaphore(%run_scoped3A_89 : memref<!tpu.dma_semaphore, #tpu.memory_space<semaphore_mem>>) src(%arg11 : memref<128x128xf32, #tpu.memory_space<vmem>>) dst(%dma_wait3A_101 : memref<10240x128xf32, #tpu.memory_space<vmem_shared>>)
        tpu.yield
      }) : () -> ()
    } else {
    }
    %eq3A_13 = arith.constant 1 : i32
    %eq3A_14 = arith.cmpi eq, %arg0, %eq3A_13 : i32
    %convert_element_type3A_15 = arith.extui %eq3A_14 : i1 to i32
    %cond3A_16 = arith.constant 0 : i32
    %cond3A_17 = arith.cmpi ne, %convert_element_type3A_15, %cond3A_16 : i32
    scf.if %cond3A_17 {
      %mul3A_19 = arith.constant 40 : i32
      %mul3A_20 = arith.muli %arg1, %mul3A_19 : i32
      %add3A = arith.constant 1920 : i32
      %add3A_21 = arith.addi %add3A, %mul3A_20 : i32
      %mul3A_22 = arith.constant 128 : i32
      %mul3A_23 = arith.muli %add3A_21, %mul3A_22 : i32
      %add3A_24 = arith.constant 0 : i32
      %add3A_25 = arith.addi %mul3A_23, %add3A_24 : i32
      %multiple_of3A = tpu.assume_multiple %add3A_25, 128 : i32
      %dma_start3A = tpu.memref_slice %arg3[%multiple_of3A] : memref<327680xi32, #tpu.memory_space<hbm>> -> memref<128xi32, #tpu.memory_space<hbm>>
      %dma_start3A_26 = tpu.memref_slice %arg3[%multiple_of3A] : memref<327680xi32, #tpu.memory_space<hbm>> -> memref<128xi32, #tpu.memory_space<hbm>>
      tpu.enqueue_dma source(%dma_start3A_26 : memref<128xi32, #tpu.memory_space<hbm>>) target(%arg8 : memref<128xi32, #tpu.memory_space<vmem>>) target_semaphore(%arg15 : memref<!tpu.dma_semaphore, #tpu.memory_space<semaphore_mem>>)
      %add3A_27 = arith.constant 128 : i32
      %add3A_28 = arith.addi %mul3A_23, %add3A_27 : i32
      %multiple_of3A_29 = tpu.assume_multiple %add3A_28, 128 : i32
      %dma_start3A_30 = tpu.memref_slice %arg3[%multiple_of3A_29] : memref<327680xi32, #tpu.memory_space<hbm>> -> memref<128xi32, #tpu.memory_space<hbm>>
      %dma_start3A_31 = tpu.memref_slice %arg3[%multiple_of3A_29] : memref<327680xi32, #tpu.memory_space<hbm>> -> memref<128xi32, #tpu.memory_space<hbm>>
      tpu.enqueue_dma source(%dma_start3A_31 : memref<128xi32, #tpu.memory_space<hbm>>) target(%arg9 : memref<128xi32, #tpu.memory_space<vmem>>) target_semaphore(%arg16 : memref<!tpu.dma_semaphore, #tpu.memory_space<semaphore_mem>>)
      %dma_wait3A = arith.constant 0 : i32
      %dma_wait3A_32 = tpu.memref_slice %arg3[%dma_wait3A] : memref<327680xi32, #tpu.memory_space<hbm>> -> memref<128xi32, #tpu.memory_space<hbm>>
      %dma_wait3A_33 = arith.constant 0 : i32
      %dma_wait3A_34 = tpu.memref_slice %arg3[%dma_wait3A_33] : memref<327680xi32, #tpu.memory_space<hbm>> -> memref<128xi32, #tpu.memory_space<hbm>>
      tpu.wait_dma2 semaphore(%arg15 : memref<!tpu.dma_semaphore, #tpu.memory_space<semaphore_mem>>) src(%dma_wait3A_34 : memref<128xi32, #tpu.memory_space<hbm>>) dst(%arg8 : memref<128xi32, #tpu.memory_space<vmem>>)
      %dma_start3A_35 = arith.constant 1 : i32
      %dma_start3A_36 = arith.constant 0 : i32
      %dma_start3A_37 = arith.constant 0 : i32
      %dma_start3A_38 = tpu.memref_slice %arg2[%dma_start3A_35, %dma_start3A_36, %dma_start3A_37] : memref<2x10000x128xf32, #tpu.memory_space<hbm>> -> memref<1x10000x128xf32, #tpu.memory_space<hbm>>
      %dma_start3A_39 = tpu.memref_squeeze %dma_start3A_38 : memref<1x10000x128xf32, #tpu.memory_space<hbm>> -> memref<10000x128xf32, #tpu.memory_space<hbm>>
      %dma_start3A_40 = arith.constant 0 : i32
      %dma_start3A_41 = arith.constant 0 : i32
      %dma_start3A_42 = tpu.memref_slice %dma_start3A_39[%dma_start3A_40, %dma_start3A_41] : memref<10000x128xf32, #tpu.memory_space<hbm>> -> memref<10000x128xf32, #tpu.memory_space<hbm>>
      tpu.enqueue_indirect_dma source(%dma_start3A_42 : memref<10000x128xf32, #tpu.memory_space<hbm>>) target(%arg10 : memref<128x128xf32, #tpu.memory_space<vmem>>) offsets(%arg8 : memref<128xi32, #tpu.memory_space<vmem>>) semaphore(%arg13 : memref<!tpu.dma_semaphore, #tpu.memory_space<semaphore_mem>>)
      %dma_wait3A_43 = arith.constant 0 : i32
      %dma_wait3A_44 = tpu.memref_slice %arg3[%dma_wait3A_43] : memref<327680xi32, #tpu.memory_space<hbm>> -> memref<128xi32, #tpu.memory_space<hbm>>
      %dma_wait3A_45 = arith.constant 0 : i32
      %dma_wait3A_46 = tpu.memref_slice %arg3[%dma_wait3A_45] : memref<327680xi32, #tpu.memory_space<hbm>> -> memref<128xi32, #tpu.memory_space<hbm>>
      tpu.wait_dma2 semaphore(%arg16 : memref<!tpu.dma_semaphore, #tpu.memory_space<semaphore_mem>>) src(%dma_wait3A_46 : memref<128xi32, #tpu.memory_space<hbm>>) dst(%arg9 : memref<128xi32, #tpu.memory_space<vmem>>)
      %dma_start3A_47 = arith.constant 1 : i32
      %dma_start3A_48 = arith.constant 0 : i32
      %dma_start3A_49 = arith.constant 0 : i32
      %dma_start3A_50 = tpu.memref_slice %arg2[%dma_start3A_47, %dma_start3A_48, %dma_start3A_49] : memref<2x10000x128xf32, #tpu.memory_space<hbm>> -> memref<1x10000x128xf32, #tpu.memory_space<hbm>>
      %dma_start3A_51 = tpu.memref_squeeze %dma_start3A_50 : memref<1x10000x128xf32, #tpu.memory_space<hbm>> -> memref<10000x128xf32, #tpu.memory_space<hbm>>
      %dma_start3A_52 = arith.constant 0 : i32
      %dma_start3A_53 = arith.constant 0 : i32
      %dma_start3A_54 = tpu.memref_slice %dma_start3A_51[%dma_start3A_52, %dma_start3A_53] : memref<10000x128xf32, #tpu.memory_space<hbm>> -> memref<10000x128xf32, #tpu.memory_space<hbm>>
      tpu.enqueue_indirect_dma source(%dma_start3A_54 : memref<10000x128xf32, #tpu.memory_space<hbm>>) target(%arg11 : memref<128x128xf32, #tpu.memory_space<vmem>>) offsets(%arg9 : memref<128xi32, #tpu.memory_space<vmem>>) semaphore(%arg14 : memref<!tpu.dma_semaphore, #tpu.memory_space<semaphore_mem>>)
      %scan3A = arith.constant 1 : i32
      %scan3A_55 = arith.constant 0 : i32
      %scan3A_56 = arith.constant 19 : i32
      %scan3A_57 = arith.addi %scan3A_55, %scan3A_56 : i32
      %scan3A_58 = arith.constant 1 : i32
      scf.for %scan3A_91 = %scan3A_55 to %scan3A_57 step %scan3A_58  : i32 {
        %mul3A_92 = arith.constant 2 : i32
        %mul3A_93 = arith.muli %scan3A_91, %mul3A_92 : i32
        %add3A_94 = arith.constant 0 : i32
        %add3A_95 = arith.addi %add3A_94, %mul3A_93 : i32
        %add3A_96 = arith.constant 0 : i32
        %add3A_97 = arith.addi %add3A_95, %add3A_96 : i32
        %dma_wait3A_98 = arith.constant 0 : i32
        %dma_wait3A_99 = arith.constant 0 : i32
        %dma_wait3A_100 = tpu.memref_slice %arg2[%scan3A, %dma_wait3A_98, %dma_wait3A_99] : memref<2x10000x128xf32, #tpu.memory_space<hbm>> -> memref<1x10000x128xf32, #tpu.memory_space<hbm>>
        %dma_wait3A_101 = tpu.memref_squeeze %dma_wait3A_100 : memref<1x10000x128xf32, #tpu.memory_space<hbm>> -> memref<10000x128xf32, #tpu.memory_space<hbm>>
        %dma_wait3A_102 = arith.constant 0 : i32
        %dma_wait3A_103 = arith.constant 0 : i32
        %dma_wait3A_104 = tpu.memref_slice %dma_wait3A_101[%dma_wait3A_102, %dma_wait3A_103] : memref<10000x128xf32, #tpu.memory_space<hbm>> -> memref<128x128xf32, #tpu.memory_space<hbm>>
        %dma_wait3A_105 = arith.constant 0 : i32
        %dma_wait3A_106 = arith.constant 0 : i32
        %dma_wait3A_107 = tpu.memref_slice %arg2[%scan3A, %dma_wait3A_105, %dma_wait3A_106] : memref<2x10000x128xf32, #tpu.memory_space<hbm>> -> memref<1x10000x128xf32, #tpu.memory_space<hbm>>
        %dma_wait3A_108 = tpu.memref_squeeze %dma_wait3A_107 : memref<1x10000x128xf32, #tpu.memory_space<hbm>> -> memref<10000x128xf32, #tpu.memory_space<hbm>>
        %dma_wait3A_109 = arith.constant 0 : i32
        %dma_wait3A_110 = arith.constant 0 : i32
        %dma_wait3A_111 = tpu.memref_slice %dma_wait3A_108[%dma_wait3A_109, %dma_wait3A_110] : memref<10000x128xf32, #tpu.memory_space<hbm>> -> memref<128x128xf32, #tpu.memory_space<hbm>>
        tpu.wait_dma2 semaphore(%arg13 : memref<!tpu.dma_semaphore, #tpu.memory_space<semaphore_mem>>) src(%dma_wait3A_111 : memref<128x128xf32, #tpu.memory_space<hbm>>) dst(%arg10 : memref<128x128xf32, #tpu.memory_space<vmem>>)
        %add3A_112 = arith.constant 2 : i32
        %add3A_113 = arith.addi %add3A_97, %add3A_112 : i32
        %mul3A_114 = arith.constant 128 : i32
        %mul3A_115 = arith.muli %add3A_113, %mul3A_114 : i32
        %add3A_116 = arith.addi %mul3A_23, %mul3A_115 : i32
        %multiple_of3A_117 = tpu.assume_multiple %add3A_116, 128 : i32
        %dma_start3A_118 = tpu.memref_slice %arg3[%multiple_of3A_117] : memref<327680xi32, #tpu.memory_space<hbm>> -> memref<128xi32, #tpu.memory_space<hbm>>
        %dma_start3A_119 = tpu.memref_slice %arg3[%multiple_of3A_117] : memref<327680xi32, #tpu.memory_space<hbm>> -> memref<128xi32, #tpu.memory_space<hbm>>
        tpu.enqueue_dma source(%dma_start3A_119 : memref<128xi32, #tpu.memory_space<hbm>>) target(%arg8 : memref<128xi32, #tpu.memory_space<vmem>>) target_semaphore(%arg15 : memref<!tpu.dma_semaphore, #tpu.memory_space<semaphore_mem>>)
        "tpu.region"() ({
          %run_scoped3A_166 = tpu.sem_alloc : memref<!tpu.dma_semaphore, #tpu.memory_space<semaphore_mem>>
          %dma_start3A_167 = arith.constant 0 : i32
          %dma_start3A_168 = tpu.memref_slice %arg7[%add3A_97, %dma_start3A_167] : memref<120x128xi32, #tpu.memory_space<vmem>> -> memref<1x128xi32, #tpu.memory_space<vmem>>
          %dma_start3A_169 = tpu.memref_squeeze %dma_start3A_168 : memref<1x128xi32, #tpu.memory_space<vmem>> -> memref<128xi32, #tpu.memory_space<vmem>>
          %dma_start3A_170 = arith.constant 0 : i32
          %dma_start3A_171 = arith.constant 0 : i32
          %dma_start3A_172 = tpu.memref_slice %arg12[%dma_start3A_170, %dma_start3A_171] : memref<10240x128xf32, #tpu.memory_space<vmem_shared>> -> memref<10240x128xf32, #tpu.memory_space<vmem_shared>>
          tpu.enqueue_indirect_dma source(%arg10 : memref<128x128xf32, #tpu.memory_space<vmem>>) target(%dma_start3A_172 : memref<10240x128xf32, #tpu.memory_space<vmem_shared>>) offsets(%dma_start3A_169 : memref<128xi32, #tpu.memory_space<vmem>>) semaphore(%run_scoped3A_166 : memref<!tpu.dma_semaphore, #tpu.memory_space<semaphore_mem>>) {add = true}
          %dma_wait3A_173 = arith.constant 0 : i32
          %dma_wait3A_174 = tpu.memref_slice %arg7[%add3A_97, %dma_wait3A_173] : memref<120x128xi32, #tpu.memory_space<vmem>> -> memref<1x128xi32, #tpu.memory_space<vmem>>
          %dma_wait3A_175 = tpu.memref_squeeze %dma_wait3A_174 : memref<1x128xi32, #tpu.memory_space<vmem>> -> memref<128xi32, #tpu.memory_space<vmem>>
          %dma_wait3A_176 = arith.constant 0 : i32
          %dma_wait3A_177 = arith.constant 0 : i32
          %dma_wait3A_178 = tpu.memref_slice %arg12[%dma_wait3A_176, %dma_wait3A_177] : memref<10240x128xf32, #tpu.memory_space<vmem_shared>> -> memref<10240x128xf32, #tpu.memory_space<vmem_shared>>
          tpu.wait_indirect_dma semaphore(%run_scoped3A_166 : memref<!tpu.dma_semaphore, #tpu.memory_space<semaphore_mem>>) src(%arg10 : memref<128x128xf32, #tpu.memory_space<vmem>>) dst(%dma_wait3A_178 : memref<10240x128xf32, #tpu.memory_space<vmem_shared>>)
          tpu.yield
        }) : () -> ()
        %dma_wait3A_120 = arith.constant 0 : i32
        %dma_wait3A_121 = tpu.memref_slice %arg3[%dma_wait3A_120] : memref<327680xi32, #tpu.memory_space<hbm>> -> memref<128xi32, #tpu.memory_space<hbm>>
        %dma_wait3A_122 = arith.constant 0 : i32
        %dma_wait3A_123 = tpu.memref_slice %arg3[%dma_wait3A_122] : memref<327680xi32, #tpu.memory_space<hbm>> -> memref<128xi32, #tpu.memory_space<hbm>>
        tpu.wait_dma2 semaphore(%arg15 : memref<!tpu.dma_semaphore, #tpu.memory_space<semaphore_mem>>) src(%dma_wait3A_123 : memref<128xi32, #tpu.memory_space<hbm>>) dst(%arg8 : memref<128xi32, #tpu.memory_space<vmem>>)
        %dma_start3A_124 = arith.constant 0 : i32
        %dma_start3A_125 = arith.constant 0 : i32
        %dma_start3A_126 = tpu.memref_slice %arg2[%scan3A, %dma_start3A_124, %dma_start3A_125] : memref<2x10000x128xf32, #tpu.memory_space<hbm>> -> memref<1x10000x128xf32, #tpu.memory_space<hbm>>
        %dma_start3A_127 = tpu.memref_squeeze %dma_start3A_126 : memref<1x10000x128xf32, #tpu.memory_space<hbm>> -> memref<10000x128xf32, #tpu.memory_space<hbm>>
        %dma_start3A_128 = arith.constant 0 : i32
        %dma_start3A_129 = arith.constant 0 : i32
        %dma_start3A_130 = tpu.memref_slice %dma_start3A_127[%dma_start3A_128, %dma_start3A_129] : memref<10000x128xf32, #tpu.memory_space<hbm>> -> memref<10000x128xf32, #tpu.memory_space<hbm>>
        tpu.enqueue_indirect_dma source(%dma_start3A_130 : memref<10000x128xf32, #tpu.memory_space<hbm>>) target(%arg10 : memref<128x128xf32, #tpu.memory_space<vmem>>) offsets(%arg8 : memref<128xi32, #tpu.memory_space<vmem>>) semaphore(%arg13 : memref<!tpu.dma_semaphore, #tpu.memory_space<semaphore_mem>>)
        %add3A_131 = arith.constant 1 : i32
        %add3A_132 = arith.addi %add3A_95, %add3A_131 : i32
        %dma_wait3A_133 = arith.constant 0 : i32
        %dma_wait3A_134 = arith.constant 0 : i32
        %dma_wait3A_135 = tpu.memref_slice %arg2[%scan3A, %dma_wait3A_133, %dma_wait3A_134] : memref<2x10000x128xf32, #tpu.memory_space<hbm>> -> memref<1x10000x128xf32, #tpu.memory_space<hbm>>
        %dma_wait3A_136 = tpu.memref_squeeze %dma_wait3A_135 : memref<1x10000x128xf32, #tpu.memory_space<hbm>> -> memref<10000x128xf32, #tpu.memory_space<hbm>>
        %dma_wait3A_137 = arith.constant 0 : i32
        %dma_wait3A_138 = arith.constant 0 : i32
        %dma_wait3A_139 = tpu.memref_slice %dma_wait3A_136[%dma_wait3A_137, %dma_wait3A_138] : memref<10000x128xf32, #tpu.memory_space<hbm>> -> memref<128x128xf32, #tpu.memory_space<hbm>>
        %dma_wait3A_140 = arith.constant 0 : i32
        %dma_wait3A_141 = arith.constant 0 : i32
        %dma_wait3A_142 = tpu.memref_slice %arg2[%scan3A, %dma_wait3A_140, %dma_wait3A_141] : memref<2x10000x128xf32, #tpu.memory_space<hbm>> -> memref<1x10000x128xf32, #tpu.memory_space<hbm>>
        %dma_wait3A_143 = tpu.memref_squeeze %dma_wait3A_142 : memref<1x10000x128xf32, #tpu.memory_space<hbm>> -> memref<10000x128xf32, #tpu.memory_space<hbm>>
        %dma_wait3A_144 = arith.constant 0 : i32
        %dma_wait3A_145 = arith.constant 0 : i32
        %dma_wait3A_146 = tpu.memref_slice %dma_wait3A_143[%dma_wait3A_144, %dma_wait3A_145] : memref<10000x128xf32, #tpu.memory_space<hbm>> -> memref<128x128xf32, #tpu.memory_space<hbm>>
        tpu.wait_dma2 semaphore(%arg14 : memref<!tpu.dma_semaphore, #tpu.memory_space<semaphore_mem>>) src(%dma_wait3A_146 : memref<128x128xf32, #tpu.memory_space<hbm>>) dst(%arg11 : memref<128x128xf32, #tpu.memory_space<vmem>>)
        %add3A_147 = arith.constant 2 : i32
        %add3A_148 = arith.addi %add3A_132, %add3A_147 : i32
        %mul3A_149 = arith.constant 128 : i32
        %mul3A_150 = arith.muli %add3A_148, %mul3A_149 : i32
        %add3A_151 = arith.addi %mul3A_23, %mul3A_150 : i32
        %multiple_of3A_152 = tpu.assume_multiple %add3A_151, 128 : i32
        %dma_start3A_153 = tpu.memref_slice %arg3[%multiple_of3A_152] : memref<327680xi32, #tpu.memory_space<hbm>> -> memref<128xi32, #tpu.memory_space<hbm>>
        %dma_start3A_154 = tpu.memref_slice %arg3[%multiple_of3A_152] : memref<327680xi32, #tpu.memory_space<hbm>> -> memref<128xi32, #tpu.memory_space<hbm>>
        tpu.enqueue_dma source(%dma_start3A_154 : memref<128xi32, #tpu.memory_space<hbm>>) target(%arg9 : memref<128xi32, #tpu.memory_space<vmem>>) target_semaphore(%arg16 : memref<!tpu.dma_semaphore, #tpu.memory_space<semaphore_mem>>)
        "tpu.region"() ({
          %run_scoped3A_166 = tpu.sem_alloc : memref<!tpu.dma_semaphore, #tpu.memory_space<semaphore_mem>>
          %dma_start3A_167 = arith.constant 0 : i32
          %dma_start3A_168 = tpu.memref_slice %arg7[%add3A_132, %dma_start3A_167] : memref<120x128xi32, #tpu.memory_space<vmem>> -> memref<1x128xi32, #tpu.memory_space<vmem>>
          %dma_start3A_169 = tpu.memref_squeeze %dma_start3A_168 : memref<1x128xi32, #tpu.memory_space<vmem>> -> memref<128xi32, #tpu.memory_space<vmem>>
          %dma_start3A_170 = arith.constant 0 : i32
          %dma_start3A_171 = arith.constant 0 : i32
          %dma_start3A_172 = tpu.memref_slice %arg12[%dma_start3A_170, %dma_start3A_171] : memref<10240x128xf32, #tpu.memory_space<vmem_shared>> -> memref<10240x128xf32, #tpu.memory_space<vmem_shared>>
          tpu.enqueue_indirect_dma source(%arg11 : memref<128x128xf32, #tpu.memory_space<vmem>>) target(%dma_start3A_172 : memref<10240x128xf32, #tpu.memory_space<vmem_shared>>) offsets(%dma_start3A_169 : memref<128xi32, #tpu.memory_space<vmem>>) semaphore(%run_scoped3A_166 : memref<!tpu.dma_semaphore, #tpu.memory_space<semaphore_mem>>) {add = true}
          %dma_wait3A_173 = arith.constant 0 : i32
          %dma_wait3A_174 = tpu.memref_slice %arg7[%add3A_132, %dma_wait3A_173] : memref<120x128xi32, #tpu.memory_space<vmem>> -> memref<1x128xi32, #tpu.memory_space<vmem>>
          %dma_wait3A_175 = tpu.memref_squeeze %dma_wait3A_174 : memref<1x128xi32, #tpu.memory_space<vmem>> -> memref<128xi32, #tpu.memory_space<vmem>>
          %dma_wait3A_176 = arith.constant 0 : i32
          %dma_wait3A_177 = arith.constant 0 : i32
          %dma_wait3A_178 = tpu.memref_slice %arg12[%dma_wait3A_176, %dma_wait3A_177] : memref<10240x128xf32, #tpu.memory_space<vmem_shared>> -> memref<10240x128xf32, #tpu.memory_space<vmem_shared>>
          tpu.wait_indirect_dma semaphore(%run_scoped3A_166 : memref<!tpu.dma_semaphore, #tpu.memory_space<semaphore_mem>>) src(%arg11 : memref<128x128xf32, #tpu.memory_space<vmem>>) dst(%dma_wait3A_178 : memref<10240x128xf32, #tpu.memory_space<vmem_shared>>)
          tpu.yield
        }) : () -> ()
        %dma_wait3A_155 = arith.constant 0 : i32
        %dma_wait3A_156 = tpu.memref_slice %arg3[%dma_wait3A_155] : memref<327680xi32, #tpu.memory_space<hbm>> -> memref<128xi32, #tpu.memory_space<hbm>>
        %dma_wait3A_157 = arith.constant 0 : i32
        %dma_wait3A_158 = tpu.memref_slice %arg3[%dma_wait3A_157] : memref<327680xi32, #tpu.memory_space<hbm>> -> memref<128xi32, #tpu.memory_space<hbm>>
        tpu.wait_dma2 semaphore(%arg16 : memref<!tpu.dma_semaphore, #tpu.memory_space<semaphore_mem>>) src(%dma_wait3A_158 : memref<128xi32, #tpu.memory_space<hbm>>) dst(%arg9 : memref<128xi32, #tpu.memory_space<vmem>>)
        %dma_start3A_159 = arith.constant 0 : i32
        %dma_start3A_160 = arith.constant 0 : i32
        %dma_start3A_161 = tpu.memref_slice %arg2[%scan3A, %dma_start3A_159, %dma_start3A_160] : memref<2x10000x128xf32, #tpu.memory_space<hbm>> -> memref<1x10000x128xf32, #tpu.memory_space<hbm>>
        %dma_start3A_162 = tpu.memref_squeeze %dma_start3A_161 : memref<1x10000x128xf32, #tpu.memory_space<hbm>> -> memref<10000x128xf32, #tpu.memory_space<hbm>>
        %dma_start3A_163 = arith.constant 0 : i32
        %dma_start3A_164 = arith.constant 0 : i32
        %dma_start3A_165 = tpu.memref_slice %dma_start3A_162[%dma_start3A_163, %dma_start3A_164] : memref<10000x128xf32, #tpu.memory_space<hbm>> -> memref<10000x128xf32, #tpu.memory_space<hbm>>
        tpu.enqueue_indirect_dma source(%dma_start3A_165 : memref<10000x128xf32, #tpu.memory_space<hbm>>) target(%arg11 : memref<128x128xf32, #tpu.memory_space<vmem>>) offsets(%arg9 : memref<128xi32, #tpu.memory_space<vmem>>) semaphore(%arg14 : memref<!tpu.dma_semaphore, #tpu.memory_space<semaphore_mem>>)
      }
      %scan3A_59 = arith.constant 19 : i32
      %dma_wait3A_60 = arith.constant 1 : i32
      %dma_wait3A_61 = arith.constant 0 : i32
      %dma_wait3A_62 = arith.constant 0 : i32
      %dma_wait3A_63 = tpu.memref_slice %arg2[%dma_wait3A_60, %dma_wait3A_61, %dma_wait3A_62] : memref<2x10000x128xf32, #tpu.memory_space<hbm>> -> memref<1x10000x128xf32, #tpu.memory_space<hbm>>
      %dma_wait3A_64 = tpu.memref_squeeze %dma_wait3A_63 : memref<1x10000x128xf32, #tpu.memory_space<hbm>> -> memref<10000x128xf32, #tpu.memory_space<hbm>>
      %dma_wait3A_65 = arith.constant 0 : i32
      %dma_wait3A_66 = arith.constant 0 : i32
      %dma_wait3A_67 = tpu.memref_slice %dma_wait3A_64[%dma_wait3A_65, %dma_wait3A_66] : memref<10000x128xf32, #tpu.memory_space<hbm>> -> memref<128x128xf32, #tpu.memory_space<hbm>>
      %dma_wait3A_68 = arith.constant 0 : i32
      %dma_wait3A_69 = arith.constant 0 : i32
      %dma_wait3A_70 = tpu.memref_slice %arg2[%dma_wait3A_60, %dma_wait3A_68, %dma_wait3A_69] : memref<2x10000x128xf32, #tpu.memory_space<hbm>> -> memref<1x10000x128xf32, #tpu.memory_space<hbm>>
      %dma_wait3A_71 = tpu.memref_squeeze %dma_wait3A_70 : memref<1x10000x128xf32, #tpu.memory_space<hbm>> -> memref<10000x128xf32, #tpu.memory_space<hbm>>
      %dma_wait3A_72 = arith.constant 0 : i32
      %dma_wait3A_73 = arith.constant 0 : i32
      %dma_wait3A_74 = tpu.memref_slice %dma_wait3A_71[%dma_wait3A_72, %dma_wait3A_73] : memref<10000x128xf32, #tpu.memory_space<hbm>> -> memref<128x128xf32, #tpu.memory_space<hbm>>
      tpu.wait_dma2 semaphore(%arg13 : memref<!tpu.dma_semaphore, #tpu.memory_space<semaphore_mem>>) src(%dma_wait3A_74 : memref<128x128xf32, #tpu.memory_space<hbm>>) dst(%arg10 : memref<128x128xf32, #tpu.memory_space<vmem>>)
      %run_scoped3A = arith.constant 38 : i32
      "tpu.region"() ({
        %run_scoped3A_91 = tpu.sem_alloc : memref<!tpu.dma_semaphore, #tpu.memory_space<semaphore_mem>>
        %dma_start3A_92 = arith.constant 0 : i32
        %dma_start3A_93 = tpu.memref_slice %arg7[%run_scoped3A, %dma_start3A_92] : memref<120x128xi32, #tpu.memory_space<vmem>> -> memref<1x128xi32, #tpu.memory_space<vmem>>
        %dma_start3A_94 = tpu.memref_squeeze %dma_start3A_93 : memref<1x128xi32, #tpu.memory_space<vmem>> -> memref<128xi32, #tpu.memory_space<vmem>>
        %dma_start3A_95 = arith.constant 0 : i32
        %dma_start3A_96 = arith.constant 0 : i32
        %dma_start3A_97 = tpu.memref_slice %arg12[%dma_start3A_95, %dma_start3A_96] : memref<10240x128xf32, #tpu.memory_space<vmem_shared>> -> memref<10240x128xf32, #tpu.memory_space<vmem_shared>>
        tpu.enqueue_indirect_dma source(%arg10 : memref<128x128xf32, #tpu.memory_space<vmem>>) target(%dma_start3A_97 : memref<10240x128xf32, #tpu.memory_space<vmem_shared>>) offsets(%dma_start3A_94 : memref<128xi32, #tpu.memory_space<vmem>>) semaphore(%run_scoped3A_91 : memref<!tpu.dma_semaphore, #tpu.memory_space<semaphore_mem>>) {add = true}
        %dma_wait3A_98 = arith.constant 0 : i32
        %dma_wait3A_99 = tpu.memref_slice %arg7[%run_scoped3A, %dma_wait3A_98] : memref<120x128xi32, #tpu.memory_space<vmem>> -> memref<1x128xi32, #tpu.memory_space<vmem>>
        %dma_wait3A_100 = tpu.memref_squeeze %dma_wait3A_99 : memref<1x128xi32, #tpu.memory_space<vmem>> -> memref<128xi32, #tpu.memory_space<vmem>>
        %dma_wait3A_101 = arith.constant 0 : i32
        %dma_wait3A_102 = arith.constant 0 : i32
        %dma_wait3A_103 = tpu.memref_slice %arg12[%dma_wait3A_101, %dma_wait3A_102] : memref<10240x128xf32, #tpu.memory_space<vmem_shared>> -> memref<10240x128xf32, #tpu.memory_space<vmem_shared>>
        tpu.wait_indirect_dma semaphore(%run_scoped3A_91 : memref<!tpu.dma_semaphore, #tpu.memory_space<semaphore_mem>>) src(%arg10 : memref<128x128xf32, #tpu.memory_space<vmem>>) dst(%dma_wait3A_103 : memref<10240x128xf32, #tpu.memory_space<vmem_shared>>)
        tpu.yield
      }) : () -> ()
      %dma_wait3A_75 = arith.constant 1 : i32
      %dma_wait3A_76 = arith.constant 0 : i32
      %dma_wait3A_77 = arith.constant 0 : i32
      %dma_wait3A_78 = tpu.memref_slice %arg2[%dma_wait3A_75, %dma_wait3A_76, %dma_wait3A_77] : memref<2x10000x128xf32, #tpu.memory_space<hbm>> -> memref<1x10000x128xf32, #tpu.memory_space<hbm>>
      %dma_wait3A_79 = tpu.memref_squeeze %dma_wait3A_78 : memref<1x10000x128xf32, #tpu.memory_space<hbm>> -> memref<10000x128xf32, #tpu.memory_space<hbm>>
      %dma_wait3A_80 = arith.constant 0 : i32
      %dma_wait3A_81 = arith.constant 0 : i32
      %dma_wait3A_82 = tpu.memref_slice %dma_wait3A_79[%dma_wait3A_80, %dma_wait3A_81] : memref<10000x128xf32, #tpu.memory_space<hbm>> -> memref<128x128xf32, #tpu.memory_space<hbm>>
      %dma_wait3A_83 = arith.constant 0 : i32
      %dma_wait3A_84 = arith.constant 0 : i32
      %dma_wait3A_85 = tpu.memref_slice %arg2[%dma_wait3A_75, %dma_wait3A_83, %dma_wait3A_84] : memref<2x10000x128xf32, #tpu.memory_space<hbm>> -> memref<1x10000x128xf32, #tpu.memory_space<hbm>>
      %dma_wait3A_86 = tpu.memref_squeeze %dma_wait3A_85 : memref<1x10000x128xf32, #tpu.memory_space<hbm>> -> memref<10000x128xf32, #tpu.memory_space<hbm>>
      %dma_wait3A_87 = arith.constant 0 : i32
      %dma_wait3A_88 = arith.constant 0 : i32
      %dma_wait3A_89 = tpu.memref_slice %dma_wait3A_86[%dma_wait3A_87, %dma_wait3A_88] : memref<10000x128xf32, #tpu.memory_space<hbm>> -> memref<128x128xf32, #tpu.memory_space<hbm>>
      tpu.wait_dma2 semaphore(%arg14 : memref<!tpu.dma_semaphore, #tpu.memory_space<semaphore_mem>>) src(%dma_wait3A_89 : memref<128x128xf32, #tpu.memory_space<hbm>>) dst(%arg11 : memref<128x128xf32, #tpu.memory_space<vmem>>)
      %run_scoped3A_90 = arith.constant 39 : i32
      "tpu.region"() ({
        %run_scoped3A_91 = tpu.sem_alloc : memref<!tpu.dma_semaphore, #tpu.memory_space<semaphore_mem>>
        %dma_start3A_92 = arith.constant 0 : i32
        %dma_start3A_93 = tpu.memref_slice %arg7[%run_scoped3A_90, %dma_start3A_92] : memref<120x128xi32, #tpu.memory_space<vmem>> -> memref<1x128xi32, #tpu.memory_space<vmem>>
        %dma_start3A_94 = tpu.memref_squeeze %dma_start3A_93 : memref<1x128xi32, #tpu.memory_space<vmem>> -> memref<128xi32, #tpu.memory_space<vmem>>
        %dma_start3A_95 = arith.constant 0 : i32
        %dma_start3A_96 = arith.constant 0 : i32
        %dma_start3A_97 = tpu.memref_slice %arg12[%dma_start3A_95, %dma_start3A_96] : memref<10240x128xf32, #tpu.memory_space<vmem_shared>> -> memref<10240x128xf32, #tpu.memory_space<vmem_shared>>
        tpu.enqueue_indirect_dma source(%arg11 : memref<128x128xf32, #tpu.memory_space<vmem>>) target(%dma_start3A_97 : memref<10240x128xf32, #tpu.memory_space<vmem_shared>>) offsets(%dma_start3A_94 : memref<128xi32, #tpu.memory_space<vmem>>) semaphore(%run_scoped3A_91 : memref<!tpu.dma_semaphore, #tpu.memory_space<semaphore_mem>>) {add = true}
        %dma_wait3A_98 = arith.constant 0 : i32
        %dma_wait3A_99 = tpu.memref_slice %arg7[%run_scoped3A_90, %dma_wait3A_98] : memref<120x128xi32, #tpu.memory_space<vmem>> -> memref<1x128xi32, #tpu.memory_space<vmem>>
        %dma_wait3A_100 = tpu.memref_squeeze %dma_wait3A_99 : memref<1x128xi32, #tpu.memory_space<vmem>> -> memref<128xi32, #tpu.memory_space<vmem>>
        %dma_wait3A_101 = arith.constant 0 : i32
        %dma_wait3A_102 = arith.constant 0 : i32
        %dma_wait3A_103 = tpu.memref_slice %arg12[%dma_wait3A_101, %dma_wait3A_102] : memref<10240x128xf32, #tpu.memory_space<vmem_shared>> -> memref<10240x128xf32, #tpu.memory_space<vmem_shared>>
        tpu.wait_indirect_dma semaphore(%run_scoped3A_91 : memref<!tpu.dma_semaphore, #tpu.memory_space<semaphore_mem>>) src(%arg11 : memref<128x128xf32, #tpu.memory_space<vmem>>) dst(%dma_wait3A_103 : memref<10240x128xf32, #tpu.memory_space<vmem_shared>>)
        tpu.yield
      }) : () -> ()
    } else {
    }
    %barrier3A_18 = arith.constant 0 : index
    tpu.barrier barrier_id(%barrier3A_18)
    "tpu.region"() ({
      %run_scoped3A = tpu.sem_alloc : memref<!tpu.dma_semaphore, #tpu.memory_space<semaphore_mem>>
      %dma_start3A = arith.constant 0 : i32
      %dma_start3A_19 = tpu.memref_slice %arg6[%arg0, %mul3A_0, %dma_start3A] : memref<2x10240x128xf32, #tpu.memory_space<hbm>> -> memref<1x640x128xf32, #tpu.memory_space<hbm>>
      %dma_start3A_20 = tpu.memref_squeeze %dma_start3A_19 : memref<1x640x128xf32, #tpu.memory_space<hbm>> -> memref<640x128xf32, #tpu.memory_space<hbm>>
      %dma_start3A_21 = arith.constant 0 : i32
      %dma_start3A_22 = tpu.memref_slice %arg12[%mul3A_0, %dma_start3A_21] : memref<10240x128xf32, #tpu.memory_space<vmem_shared>> -> memref<640x128xf32, #tpu.memory_space<vmem_shared>>
      tpu.enqueue_dma source(%dma_start3A_22 : memref<640x128xf32, #tpu.memory_space<vmem_shared>>) target(%dma_start3A_20 : memref<640x128xf32, #tpu.memory_space<hbm>>) target_semaphore(%run_scoped3A : memref<!tpu.dma_semaphore, #tpu.memory_space<semaphore_mem>>)
      %dma_wait3A = arith.constant 0 : i32
      %dma_wait3A_23 = tpu.memref_slice %arg6[%arg0, %mul3A_0, %dma_wait3A] : memref<2x10240x128xf32, #tpu.memory_space<hbm>> -> memref<1x640x128xf32, #tpu.memory_space<hbm>>
      %dma_wait3A_24 = tpu.memref_squeeze %dma_wait3A_23 : memref<1x640x128xf32, #tpu.memory_space<hbm>> -> memref<640x128xf32, #tpu.memory_space<hbm>>
      %dma_wait3A_25 = arith.constant 0 : i32
      %dma_wait3A_26 = tpu.memref_slice %arg12[%mul3A_0, %dma_wait3A_25] : memref<10240x128xf32, #tpu.memory_space<vmem_shared>> -> memref<640x128xf32, #tpu.memory_space<vmem_shared>>
      tpu.wait_dma2 semaphore(%run_scoped3A : memref<!tpu.dma_semaphore, #tpu.memory_space<semaphore_mem>>) src(%dma_wait3A_26 : memref<640x128xf32, #tpu.memory_space<vmem_shared>>) dst(%dma_wait3A_24 : memref<640x128xf32, #tpu.memory_space<hbm>>)
      tpu.yield
    }) : () -> ()
    return
  }
}

#map = affine_map<(d0, d1) -> (0, 0)>
#map1 = affine_map<(d0, d1) -> (0)>
module attributes {stable_mosaic.version = 14 : i64} {
  func.func @_deg_body(%arg0: i32, %arg1: i32, %arg2: memref<2560x128xi32, #tpu.memory_space<hbm>>, %arg3: memref<10240xf32, #tpu.memory_space<hbm>>, %arg4: memref<20480xf32, #tpu.memory_space<hbm>>, %arg5: memref<80x128xi32, #tpu.memory_space<vmem>>, %arg6: memref<128xf32, #tpu.memory_space<vmem>>, %arg7: memref<10240xf32, #tpu.memory_space<vmem_shared>>, %arg8: memref<!tpu.dma_semaphore, #tpu.memory_space<semaphore_mem>>) attributes {dimension_semantics = [#tpu.dimension_semantics<core_parallel>, #tpu.dimension_semantics<subcore_parallel>], iteration_bounds = array<i64: 2, 16>, scalar_prefetch = 0 : i64, scratch_operands = 4 : i64, tpu.core_type = #tpu.core_type<sc_vector_subcore>, window_params = [{transform_indices = #map}, {transform_indices = #map1}, {transform_indices = #map1}]} {
    %mul3A = arith.constant 2 : i32
    %mul3A_0 = arith.muli %arg1, %mul3A : i32
    %add3A = arith.addi %mul3A_0, %arg0 : i32
    %mul3A_1 = arith.constant 640 : i32
    %mul3A_2 = arith.muli %arg1, %mul3A_1 : i32
    "tpu.region"() ({
      %run_scoped3A = tpu.sem_alloc : memref<!tpu.dma_semaphore, #tpu.memory_space<semaphore_mem>>
      %dma_start3A = tpu.memref_slice %arg7[%mul3A_2] : memref<10240xf32, #tpu.memory_space<vmem_shared>> -> memref<640xf32, #tpu.memory_space<vmem_shared>>
      %dma_start3A_18 = tpu.memref_slice %arg3[%mul3A_2] : memref<10240xf32, #tpu.memory_space<hbm>> -> memref<640xf32, #tpu.memory_space<hbm>>
      tpu.enqueue_dma source(%dma_start3A_18 : memref<640xf32, #tpu.memory_space<hbm>>) target(%dma_start3A : memref<640xf32, #tpu.memory_space<vmem_shared>>) target_semaphore(%run_scoped3A : memref<!tpu.dma_semaphore, #tpu.memory_space<semaphore_mem>>)
      %dma_wait3A = tpu.memref_slice %arg7[%mul3A_2] : memref<10240xf32, #tpu.memory_space<vmem_shared>> -> memref<640xf32, #tpu.memory_space<vmem_shared>>
      %dma_wait3A_19 = tpu.memref_slice %arg3[%mul3A_2] : memref<10240xf32, #tpu.memory_space<hbm>> -> memref<640xf32, #tpu.memory_space<hbm>>
      tpu.wait_dma2 semaphore(%run_scoped3A : memref<!tpu.dma_semaphore, #tpu.memory_space<semaphore_mem>>) src(%dma_wait3A_19 : memref<640xf32, #tpu.memory_space<hbm>>) dst(%dma_wait3A : memref<640xf32, #tpu.memory_space<vmem_shared>>)
      tpu.yield
    }) : () -> ()
    %scan3A = arith.constant 0 : i32
    %scan3A_3 = arith.constant 8 : i32
    %scan3A_4 = arith.addi %scan3A, %scan3A_3 : i32
    %scan3A_5 = arith.constant 1 : i32
    scf.for %scan3A_18 = %scan3A to %scan3A_4 step %scan3A_5  : i32 {
      %mul3A_19 = arith.constant 1 : i32
      %mul3A_20 = arith.muli %scan3A_18, %mul3A_19 : i32
      %add3A_21 = arith.constant 0 : i32
      %add3A_22 = arith.addi %add3A_21, %mul3A_20 : i32
      %broadcast_in_dim3A = arith.constant 1.000000e+00 : f32
      %broadcast_in_dim3A_23 = vector.broadcast %broadcast_in_dim3A : f32 to vector<16xf32>
      %mul3A_24 = arith.constant 16 : i32
      %mul3A_25 = arith.muli %add3A_22, %mul3A_24 : i32
      %swap3A = arith.index_cast %mul3A_25 : i32 to index
      %swap3A_26 = tpu.vector_load %arg6[%swap3A] {strides = array<i32>} : memref<128xf32, #tpu.memory_space<vmem>>, vector<16xf32>,
      %swap3A_27 = vector.shape_cast %swap3A_26 : vector<16xf32> to vector<16xf32>
      %swap3A_28 = vector.shape_cast %broadcast_in_dim3A_23 : vector<16xf32> to vector<16xf32>
      tpu.vector_store %arg6[%swap3A], %swap3A_28 {strides = array<i32>} : memref<128xf32, #tpu.memory_space<vmem>>, vector<16xf32>,
    }
    %scan3A_6 = arith.constant 8 : i32
    %mul3A_7 = arith.constant 80 : i32
    %mul3A_8 = arith.muli %add3A, %mul3A_7 : i32
    "tpu.region"() ({
      %run_scoped3A = tpu.sem_alloc : memref<!tpu.dma_semaphore, #tpu.memory_space<semaphore_mem>>
      %dma_start3A = arith.constant 0 : i32
      %dma_start3A_18 = tpu.memref_slice %arg2[%mul3A_8, %dma_start3A] : memref<2560x128xi32, #tpu.memory_space<hbm>> -> memref<80x128xi32, #tpu.memory_space<hbm>>
      %dma_start3A_19 = arith.constant 0 : i32
      %dma_start3A_20 = tpu.memref_slice %arg2[%mul3A_8, %dma_start3A_19] : memref<2560x128xi32, #tpu.memory_space<hbm>> -> memref<80x128xi32, #tpu.memory_space<hbm>>
      tpu.enqueue_dma source(%dma_start3A_20 : memref<80x128xi32, #tpu.memory_space<hbm>>) target(%arg5 : memref<80x128xi32, #tpu.memory_space<vmem>>) target_semaphore(%run_scoped3A : memref<!tpu.dma_semaphore, #tpu.memory_space<semaphore_mem>>)
      %dma_wait3A = arith.constant 0 : i32
      %dma_wait3A_21 = tpu.memref_slice %arg2[%mul3A_8, %dma_wait3A] : memref<2560x128xi32, #tpu.memory_space<hbm>> -> memref<80x128xi32, #tpu.memory_space<hbm>>
      %dma_wait3A_22 = arith.constant 0 : i32
      %dma_wait3A_23 = tpu.memref_slice %arg2[%mul3A_8, %dma_wait3A_22] : memref<2560x128xi32, #tpu.memory_space<hbm>> -> memref<80x128xi32, #tpu.memory_space<hbm>>
      tpu.wait_dma2 semaphore(%run_scoped3A : memref<!tpu.dma_semaphore, #tpu.memory_space<semaphore_mem>>) src(%dma_wait3A_23 : memref<80x128xi32, #tpu.memory_space<hbm>>) dst(%arg5 : memref<80x128xi32, #tpu.memory_space<vmem>>)
      tpu.yield
    }) : () -> ()
    %barrier3A = arith.constant 0 : index
    tpu.barrier barrier_id(%barrier3A)
    %scan3A_9 = arith.constant 0 : i32
    %scan3A_10 = arith.constant 80 : i32
    %scan3A_11 = arith.addi %scan3A_9, %scan3A_10 : i32
    %scan3A_12 = arith.constant 1 : i32
    scf.for %scan3A_18 = %scan3A_9 to %scan3A_11 step %scan3A_12  : i32 {
      %mul3A_19 = arith.constant 1 : i32
      %mul3A_20 = arith.muli %scan3A_18, %mul3A_19 : i32
      %add3A_21 = arith.constant 0 : i32
      %add3A_22 = arith.addi %add3A_21, %mul3A_20 : i32
      "tpu.region"() ({
        %run_scoped3A = tpu.sem_alloc : memref<!tpu.dma_semaphore, #tpu.memory_space<semaphore_mem>>
        %dma_start3A = arith.constant 0 : i32
        %dma_start3A_23 = tpu.memref_slice %arg5[%add3A_22, %dma_start3A] : memref<80x128xi32, #tpu.memory_space<vmem>> -> memref<1x128xi32, #tpu.memory_space<vmem>>
        %dma_start3A_24 = tpu.memref_squeeze %dma_start3A_23 : memref<1x128xi32, #tpu.memory_space<vmem>> -> memref<128xi32, #tpu.memory_space<vmem>>
        %dma_start3A_25 = arith.constant 0 : i32
        %dma_start3A_26 = tpu.memref_slice %arg7[%dma_start3A_25] : memref<10240xf32, #tpu.memory_space<vmem_shared>> -> memref<10240xf32, #tpu.memory_space<vmem_shared>>
        tpu.enqueue_indirect_dma source(%arg6 : memref<128xf32, #tpu.memory_space<vmem>>) target(%dma_start3A_26 : memref<10240xf32, #tpu.memory_space<vmem_shared>>) offsets(%dma_start3A_24 : memref<128xi32, #tpu.memory_space<vmem>>) semaphore(%run_scoped3A : memref<!tpu.dma_semaphore, #tpu.memory_space<semaphore_mem>>) {add = true}
        %dma_wait3A = arith.constant 0 : i32
        %dma_wait3A_27 = tpu.memref_slice %arg5[%add3A_22, %dma_wait3A] : memref<80x128xi32, #tpu.memory_space<vmem>> -> memref<1x128xi32, #tpu.memory_space<vmem>>
        %dma_wait3A_28 = tpu.memref_squeeze %dma_wait3A_27 : memref<1x128xi32, #tpu.memory_space<vmem>> -> memref<128xi32, #tpu.memory_space<vmem>>
        %dma_wait3A_29 = arith.constant 0 : i32
        %dma_wait3A_30 = tpu.memref_slice %arg7[%dma_wait3A_29] : memref<10240xf32, #tpu.memory_space<vmem_shared>> -> memref<10240xf32, #tpu.memory_space<vmem_shared>>
        tpu.wait_indirect_dma semaphore(%run_scoped3A : memref<!tpu.dma_semaphore, #tpu.memory_space<semaphore_mem>>) src(%arg6 : memref<128xf32, #tpu.memory_space<vmem>>) dst(%dma_wait3A_30 : memref<10240xf32, #tpu.memory_space<vmem_shared>>)
        tpu.yield
      }) : () -> ()
    }
    %scan3A_13 = arith.constant 80 : i32
    %barrier3A_14 = arith.constant 0 : index
    tpu.barrier barrier_id(%barrier3A_14)
    %mul3A_15 = arith.constant 10240 : i32
    %mul3A_16 = arith.muli %arg0, %mul3A_15 : i32
    %add3A_17 = arith.addi %mul3A_16, %mul3A_2 : i32
    %multiple_of3A = tpu.assume_multiple %add3A_17, 8 : i32
    "tpu.region"() ({
      %run_scoped3A = tpu.sem_alloc : memref<!tpu.dma_semaphore, #tpu.memory_space<semaphore_mem>>
      %dma_start3A = tpu.memref_slice %arg4[%multiple_of3A] : memref<20480xf32, #tpu.memory_space<hbm>> -> memref<640xf32, #tpu.memory_space<hbm>>
      %dma_start3A_18 = tpu.memref_slice %arg7[%mul3A_2] : memref<10240xf32, #tpu.memory_space<vmem_shared>> -> memref<640xf32, #tpu.memory_space<vmem_shared>>
      tpu.enqueue_dma source(%dma_start3A_18 : memref<640xf32, #tpu.memory_space<vmem_shared>>) target(%dma_start3A : memref<640xf32, #tpu.memory_space<hbm>>) target_semaphore(%run_scoped3A : memref<!tpu.dma_semaphore, #tpu.memory_space<semaphore_mem>>)
      %dma_wait3A = tpu.memref_slice %arg4[%multiple_of3A] : memref<20480xf32, #tpu.memory_space<hbm>> -> memref<640xf32, #tpu.memory_space<hbm>>
      %dma_wait3A_19 = tpu.memref_slice %arg7[%mul3A_2] : memref<10240xf32, #tpu.memory_space<vmem_shared>> -> memref<640xf32, #tpu.memory_space<vmem_shared>>
      tpu.wait_dma2 semaphore(%run_scoped3A : memref<!tpu.dma_semaphore, #tpu.memory_space<semaphore_mem>>) src(%dma_wait3A_19 : memref<640xf32, #tpu.memory_space<vmem_shared>>) dst(%dma_wait3A : memref<640xf32, #tpu.memory_space<hbm>>)
      tpu.yield
    }) : () -> ()
    return
  }
}

module attributes {stable_mosaic.version = 14 : i64} {
  func.func @_h_body(%arg0: memref<10000x128xf32, #tpu.memory_space<vmem>>, %arg1: memref<10000x2xf32, #tpu.memory_space<vmem>>, %arg2: memref<2x10000x128xf32, #tpu.memory_space<vmem>>) attributes {dimension_semantics = [], scalar_prefetch = 0 : i64, scratch_operands = 0 : i64, tpu.core_type = #tpu.core_type<tc>} {
    %get3A = arith.constant 0 : index
    %get3A_0 = arith.constant 0 : index
    %get3A_1 = vector.load %arg1[%get3A, %get3A_0] : memref<10000x2xf32, #tpu.memory_space<vmem>>, vector<10000x1xf32>
    %get3A_2 = arith.constant 0 : index
    %get3A_3 = arith.constant 1 : index
    %get3A_4 = vector.load %arg1[%get3A_2, %get3A_3] : memref<10000x2xf32, #tpu.memory_space<vmem>>, vector<10000x1xf32>
    %add3A = arith.addf %get3A_1, %get3A_4 : vector<10000x1xf32>
    %jit3A = arith.constant 1.000000e+00 : f32
    %max3A = vector.broadcast %jit3A : f32 to vector<10000x1xf32>
    %max3A_5 = arith.maximumf %max3A, %add3A : vector<10000x1xf32>
    %rsqrt3A = math.rsqrt %max3A_5 : vector<10000x1xf32>
    %get3A_6 = arith.constant 0 : index
    %get3A_7 = arith.constant 0 : index
    %get3A_8 = vector.load %arg0[%get3A_6, %get3A_7] : memref<10000x128xf32, #tpu.memory_space<vmem>>, vector<10000x128xf32>
    %mul3A = vector.broadcast %rsqrt3A : vector<10000x1xf32> to vector<10000x128xf32>
    %mul3A_9 = arith.mulf %get3A_8, %mul3A : vector<10000x128xf32>
    %swap3A = arith.constant 0 : index
    %swap3A_10 = arith.constant 0 : index
    %swap3A_11 = arith.constant 0 : index
    %swap3A_12 = vector.load %arg2[%swap3A, %swap3A_10, %swap3A_11] : memref<2x10000x128xf32, #tpu.memory_space<vmem>>, vector<1x10000x128xf32>
    %swap3A_13 = vector.shape_cast %swap3A_12 : vector<1x10000x128xf32> to vector<10000x128xf32>
    %swap3A_14 = vector.shape_cast %mul3A_9 : vector<10000x128xf32> to vector<1x10000x128xf32>
    tpu.vector_store %arg2[%swap3A, %swap3A_10, %swap3A_11], %swap3A_14 {strides = array<i32>} : memref<2x10000x128xf32, #tpu.memory_space<vmem>>, vector<1x10000x128xf32>,
    %swap3A_15 = arith.constant 1 : index
    %swap3A_16 = arith.constant 0 : index
    %swap3A_17 = arith.constant 0 : index
    %swap3A_18 = vector.load %arg2[%swap3A_15, %swap3A_16, %swap3A_17] : memref<2x10000x128xf32, #tpu.memory_space<vmem>>, vector<1x10000x128xf32>
    %swap3A_19 = vector.shape_cast %swap3A_18 : vector<1x10000x128xf32> to vector<10000x128xf32>
    %swap3A_20 = vector.shape_cast %mul3A_9 : vector<10000x128xf32> to vector<1x10000x128xf32>
    tpu.vector_store %arg2[%swap3A_15, %swap3A_16, %swap3A_17], %swap3A_20 {strides = array<i32>} : memref<2x10000x128xf32, #tpu.memory_space<vmem>>, vector<1x10000x128xf32>,
    return
  }
}

module attributes {stable_mosaic.version = 14 : i64} {
  func.func @_out_body(%arg0: memref<10000x128xf32, #tpu.memory_space<vmem>>, %arg1: memref<10000x128xf32, #tpu.memory_space<vmem>>, %arg2: memref<128x128xf32, #tpu.memory_space<vmem>>, %arg3: memref<10000x2xf32, #tpu.memory_space<vmem>>, %arg4: memref<1x128xf32, #tpu.memory_space<vmem>>, %arg5: memref<10000x128xf32, #tpu.memory_space<vmem>>) attributes {dimension_semantics = [], scalar_prefetch = 0 : i64, scratch_operands = 0 : i64, tpu.core_type = #tpu.core_type<tc>} {
    %get3A = arith.constant 0 : index
    %get3A_0 = arith.constant 0 : index
    %get3A_1 = vector.load %arg0[%get3A, %get3A_0] : memref<10000x128xf32, #tpu.memory_space<vmem>>, vector<10000x128xf32>
    %get3A_2 = arith.constant 0 : index
    %get3A_3 = arith.constant 0 : index
    %get3A_4 = vector.load %arg1[%get3A_2, %get3A_3] : memref<10000x128xf32, #tpu.memory_space<vmem>>, vector<10000x128xf32>
    %add3A = arith.addf %get3A_1, %get3A_4 : vector<10000x128xf32>
    %get3A_5 = arith.constant 0 : index
    %get3A_6 = arith.constant 0 : index
    %get3A_7 = vector.load %arg3[%get3A_5, %get3A_6] : memref<10000x2xf32, #tpu.memory_space<vmem>>, vector<10000x1xf32>
    %get3A_8 = arith.constant 0 : index
    %get3A_9 = arith.constant 1 : index
    %get3A_10 = vector.load %arg3[%get3A_8, %get3A_9] : memref<10000x2xf32, #tpu.memory_space<vmem>>, vector<10000x1xf32>
    %add3A_11 = arith.addf %get3A_7, %get3A_10 : vector<10000x1xf32>
    %jit3A = arith.constant 1.000000e+00 : f32
    %max3A = vector.broadcast %jit3A : f32 to vector<10000x1xf32>
    %max3A_12 = arith.maximumf %max3A, %add3A_11 : vector<10000x1xf32>
    %rsqrt3A = math.rsqrt %max3A_12 : vector<10000x1xf32>
    %get3A_13 = arith.constant 0 : index
    %get3A_14 = arith.constant 0 : index
    %get3A_15 = vector.load %arg2[%get3A_13, %get3A_14] : memref<128x128xf32, #tpu.memory_space<vmem>>, vector<128x128xf32>
    %dot_general3A = arith.constant dense<0.000000e+00> : vector<10000x128xf32>
    %dot_general3A_16 = tpu.matmul %add3A, %get3A_15, %dot_general3A {dimension_numbers = #tpu.dot_dimension_numbers<[1], [0], [0], [1], [0, 0, 1, 1], [], []>, transpose_lhs_hint = false} : vector<10000x128xf32>, vector<128x128xf32>, vector<10000x128xf32> -> vector<10000x128xf32>
    %mul3A = vector.broadcast %rsqrt3A : vector<10000x1xf32> to vector<10000x128xf32>
    %mul3A_17 = arith.mulf %dot_general3A_16, %mul3A : vector<10000x128xf32>
    %get3A_18 = arith.constant 0 : index
    %get3A_19 = arith.constant 0 : index
    %get3A_20 = vector.load %arg4[%get3A_18, %get3A_19] : memref<1x128xf32, #tpu.memory_space<vmem>>, vector<1x128xf32>
    %add3A_21 = vector.broadcast %get3A_20 : vector<1x128xf32> to vector<10000x128xf32>
    %add3A_22 = arith.addf %mul3A_17, %add3A_21 : vector<10000x128xf32>
    %swap3A = arith.constant 0 : index
    %swap3A_23 = arith.constant 0 : index
    %swap3A_24 = vector.load %arg5[%swap3A, %swap3A_23] : memref<10000x128xf32, #tpu.memory_space<vmem>>, vector<10000x128xf32>
    tpu.vector_store %arg5[%swap3A, %swap3A_23], %add3A_22 {strides = array<i32>} : memref<10000x128xf32, #tpu.memory_space<vmem>>, vector<10000x128xf32>,
    return
  }
}

</mosaic_0001>

<sc_bundles>
// kernel: kernel.6.cloned.1.call-start
scs
__scs_entry_jumppad:
0x0: {  	(pc) =	sbr.rel $0x88, $3  }
0x1: {  	(tag) =	ssettag $0x0;
	lr =	simm.s32 $0x1  }
0x2: {  	[smem:$0x3F9D] =	sst lr;
	_ =	strace $0xD0000000  }
0x3: {  	_ = 	snop  }
0x4: {  	_ = 	snop  }
0x5: {  	_ = 	snop  }
0x6: {  	_ = 	snop  }
0x7: {  	_ = 	snop  }
__scs_overlays_trampoline_lowered:
0x8: {  	[smem:$0x3FAC] =	sst s0  }
0x9: {  	[smem:$0x3FAD] =	sst s1  }
0xa: {  	[smem:$0x3FAE] =	sst s2  }
0xb: {  	[smem:$0x3FAF] =	sst s3  }
0xc: {  	[smem:$0x3FB0] =	sst s4  }
0xd: {  	[smem:$0x3FB1] =	sst s5  }
0xe: {  	[smem:$0x3FB2] =	sst s6  }
0xf: {  	[smem:$0x3FB3] =	sst s7  }
0x10: {  	[smem:$0x3FB4] =	sst s8  }
0x11: {  	[smem:$0x3FB5] =	sst s9;
	s0 =	simm.s32 @!p0 $0x0  }
0x12: {  	s1 =	sld [smem:$0x3F9B];
	s0 =	simm.s32 @p0 $0x1  }
0x13: {  	[smem:$0x3FB6] =	sst s0;
	s0 =	simm.s32 @!p1 $0x0  }
0x14: {  	s2 =	sld [smem:$0x3F9A];
	s0 =	simm.s32 @p1 $0x1  }
0x15: {  	[smem:$0x3FB7] =	sst s0;
	s0 =	simm.s32 @!p2 $0x0  }
0x16: {  	s3 =	sld [smem:$0x3FDB];
	s0 =	simm.s32 @p2 $0x1  }
0x17: {  	s4 =	simm.s32 $0x1BF5;
	[smem:$0x3FB9] =	sst s0  }
0x18: {  	s0 =	sld [smem:$0x3F9C];
	_ =	swait.ge [sflag:s4], $0x0  }
0x19: {  	s7 =	sld [smem:$0x3F9D]  }
0x1a: {  	s8 =	sadd.s32 $0xFFFFE003, lr  }
0x1b: {  	s9 =	sadd.s32 $0xFFFFFEF7, lr;
	s5 =	simm.s32 $0xFFFFFFFF;
	p2 =	slt.u32 s8, $0xFFFFF086  }
0x1c: {  	p1 =	slt.u32 s9, $0xF7A;
	s5 =	simm.s32 @!p2 $0x0  }
0x1d: {  	s5 =	simm.s32 @p1 $0x1;
	p0 =	seq.s32 s7, s2  }
0x1e: {  	s7 =	smul.u32 @!p0 $0xF7A, s2;
	p2 =	seq.s32 @!p0 s5, $0x0  }
0x1f: {  	s9 =	smul.u32 $0xF7A, s1;
	s8 =	simm.s32 @!p0 $0x1BF5;
	p2 =	por !p2, p0  }
0x20: {  	[sflag:s8] =	ssyncset.s32 @!p0 $0xFFFFF086;
	s6 =	sadd.s32 @!p0 s3, s7;
	s7 =	simm.s32 @!p0 $0x108  }
0x21: {  	s3 =	sadd.s32 s3, s9;
	s6 =	sadd.s32 @!p0 $0x88, s6;
	s7 =	simm.s32 @p2 $0x1082  }
0x22: {  	[simem:s7], [sflag:s8] =	dma.local @!p0 [hbm:s6], $0xF7A  }
0x23: {  	s9 =	sor.u32 $0xD0000000, s2;
	s6 =	simm.s32 $0x108;
	_ =	swait.ge @!p0 [sflag:s8], $0x0  }
0x24: {  	s3 =	sadd.s32 $0x88, s3;
	s6 =	simm.s32 @!p1 $0x1082;
	[sflag:s4] =	ssyncset.s32 $0xFFFFF086  }
0x25: {  	[simem:s6], [sflag:s4] =	dma.local [hbm:s3], $0xF7A  }
0x26: {  	[smem:$0x3F9D] =	sst s1;
	(tag) =	ssettag s2;
	_ =	strace s9  }
0x27: {  	s1 =	sld [smem:$0x3FAD]  }
0x28: {  	s2 =	sld [smem:$0x3FAE]  }
0x29: {  	s4 =	sld [smem:$0x3FB0]  }
0x2a: {  	p0 =	seq.s32 s5, $0x0;
	s5 =	sld [smem:$0x3FB1]  }
0x2b: {  	s6 =	sld [smem:$0x3FB2]  }
0x2c: {  	s7 =	sld [smem:$0x3FB3]  }
0x2d: {  	s3 =	simm.s32 $0x108;
	s8 =	sld [smem:$0x3FB4]  }
0x2e: {  	s3 =	simm.s32 @!p0 $0x1082;
	s9 =	sld [smem:$0x3FB5]  }
0x2f: {  	lr =	sadd.s32 s0, s3;
	s0 =	sld [smem:$0x3FAC]  }
0x30: {  	s3 =	sld [smem:$0x3FAF]  }
0x31: {  	[smem:$0x3FB8] =	sst s10  }
0x32: {  	s10 =	sld [smem:$0x3FB6];
	_ =	sdelay $0x3  }
0x33: {  	p0 =	seq.s32 s10, $0x1;
	s10 =	sld [smem:$0x3FB8];
	_ =	sdelay $0x3  }
0x34: {  	[smem:$0x3FB8] =	sst s10  }
0x35: {  	s10 =	sld [smem:$0x3FB7];
	_ =	sdelay $0x3  }
0x36: {  	p1 =	seq.s32 s10, $0x1;
	s10 =	sld [smem:$0x3FB8];
	_ =	sdelay $0x3  }
0x37: {  	[smem:$0x3FB8] =	sst s10  }
0x38: {  	s10 =	sld [smem:$0x3FB9]  }
0x39: {  	_ = 	snop;
	(pc) =	sbr.ind lr, $3  }
0x3a: {  	_ = 	snop  }
0x3b: {  	_ = 	snop  }
0x3c: {  	p2 =	seq.s32 s10, $0x1;
	s10 =	sld [smem:$0x3FB8]  }
0x3d: {  	_ =	shalt  }
0x3e: {  	_ =	shalt  }
0x3f: {  	_ =	shalt  }
0x40: {  	_ =	shalt  }
0x41: {  	_ =	shalt  }
0x42: {  	_ =	shalt  }
0x43: {  	_ =	shalt  }
0x44: {  	_ =	shalt  }
0x45: {  	_ =	shalt  }
0x46: {  	_ =	shalt  }
0x47: {  	_ =	shalt  }
0x48: {  	_ =	shalt  }
0x49: {  	_ =	shalt  }
0x4a: {  	_ =	shalt  }
0x4b: {  	_ =	shalt  }
0x4c: {  	_ =	shalt  }
0x4d: {  	_ =	shalt  }
0x4e: {  	_ =	shalt  }
0x4f: {  	_ =	shalt  }
0x50: {  	_ =	shalt  }
0x51: {  	_ =	shalt  }
0x52: {  	_ =	shalt  }
0x53: {  	_ =	shalt  }
0x54: {  	_ =	shalt  }
0x55: {  	_ =	shalt  }
0x56: {  	_ =	shalt  }
0x57: {  	_ =	shalt  }
0x58: {  	_ =	shalt  }
0x59: {  	_ =	shalt  }
0x5a: {  	_ =	shalt  }
0x5b: {  	_ =	shalt  }
0x5c: {  	_ =	shalt  }
0x5d: {  	_ =	shalt  }
0x5e: {  	_ =	shalt  }
0x5f: {  	_ =	shalt  }
0x60: {  	_ =	shalt  }
0x61: {  	_ =	shalt  }
0x62: {  	_ =	shalt  }
0x63: {  	_ =	shalt  }
0x64: {  	_ =	shalt  }
0x65: {  	_ =	shalt  }
0x66: {  	_ =	shalt  }
0x67: {  	_ =	shalt  }
0x68: {  	_ =	shalt  }
0x69: {  	_ =	shalt  }
0x6a: {  	_ =	shalt  }
0x6b: {  	_ =	shalt  }
0x6c: {  	_ =	shalt  }
0x6d: {  	_ =	shalt  }
0x6e: {  	_ =	shalt  }
0x6f: {  	_ =	shalt  }
0x70: {  	_ =	shalt  }
0x71: {  	_ =	shalt  }
0x72: {  	_ =	shalt  }
0x73: {  	_ =	shalt  }
0x74: {  	_ =	shalt  }
0x75: {  	_ =	shalt  }
0x76: {  	_ =	shalt  }
0x77: {  	_ =	shalt  }
0x78: {  	_ =	shalt  }
0x79: {  	_ =	shalt  }
0x7a: {  	_ =	shalt  }
0x7b: {  	_ =	shalt  }
0x7c: {  	_ =	shalt  }
0x7d: {  	_ =	shalt  }
0x7e: {  	_ =	shalt  }
0x7f: {  	_ =	shalt  }
0x80: {  	_ =	shalt  }
0x81: {  	_ =	shalt  }
0x82: {  	_ =	shalt  }
0x83: {  	_ =	shalt  }
0x84: {  	_ =	shalt  }
0x85: {  	_ =	shalt  }
0x86: {  	_ =	shalt  }
0x87: {  	_ =	shalt  }
.Lfunc_end0:
.L_simem_size_0:
called_computation_lowered:
.L_overlay_start_0:
0x88: {  	s2 =	sld [smem:$0x3FD9]  }
0x89: {  	s3 =	sld [smem:$0x3FFE];
	_ =	sdelay $0x1  }
0x8a: {  	s1 =	srdreg.scid  }
0x8b: {  	s0 =	sand.u32 $0x1, s1  }
0x8c: {  	s17 =	sshll.u32 s0, $0xA;
	s2 =	sadd.s32 s3, s2  }
0x8d: {  	s2 =	sadd.s32 s2, s17  }
0x8e: {  	[smem:$0x3FC4] =	sst s2  }
0x8f: {  	_ = 	snop  }
0x90: {  	s2 =	sld [smem:$0x3FD0];
	(tm) =	ssettm $0x1  }
0x91: {  	s18 =	sld [smem:$0x3FFB];
	_ =	sdelay $0x3  }
0x92: {  	_ =	strace s18  }
0x93: {  	s3 =	sld [smem:$0x3FFC];
	_ =	sdelay $0x3  }
0x94: {  	_ =	strace s3  }
0x95: {  	s3 =	sld [smem:$0x3FFD];
	_ =	sdelay $0x3  }
0x96: {  	_ =	strace s3  }
0x97: {  	_ =	strace $0x8FFFFFFF  }
0x98: {  	s19 =	sld [smem:$0x3FDB];
	_ =	sdelay $0x1  }
0x99: {  	s4 =	simm.s32 $_scs_section_size  }
0x9a: {  	s5 =	simm.s32 $_size__tile_overlayer_lowered;
	s6 =	simm.s32 $_tile_overlayer_lowered  }
0x9b: {  	s22 =	simm.s32 $0x1BFF;
	s21 =	sshll.u32 s6, $0x1;
	s3 =	sadd.s32 s4, s19  }
0x9c: {  	s7 =	simm.s32 $0x0;
	s20 =	sshll.u32 s5, $0x1;
	s5 =	sadd.s32 s21, s3  }
0x9d: {  	[timem:s7], [sflag:s22] =	dma.local [hbm:s5], s20  }
0x9e: {  	_ =	swait.ge [sflag:s22], s20  }
0x9f: {  	s4 =	ssub.s32 $0x0, s20;
	[sflag:s22] =	ssyncset.done $0x0  }
0xa0: {  	[sflag:s22] =	ssyncadd.s32 s4;
	_ =	sdelay $0x1  }
0xa1: {  	s23 =	simm.s32 $0x1B8B  }
0xa2: {  	_ =	swait.ge [sflag:s23], $0x1  }
0xa3: {  	[sflag:s23] =	ssyncset.done $0x0  }
0xa4: {  	s25 =	simm.s32 $0x1B8E;
	s24 =	sld [smem:$0x3FFE];
	[sflag:s23] =	ssyncadd.s32 $0xFFFFFFFF  }
0xa5: {  	s26 =	simm.s32 $execute0_lowered;
	[smem:$0x3FD2] =	sst s25  }
0xa6: {  	s5 =	sshll.u32 s26, $0x1;
	_ =	strace $0x80000046;
	[dreg:$0x1] =	wrdreg $0xFFFFFFFF  }
0xa7: {  	s28 =	simm.s32 $_size_execute0_lowered;
	s3 =	sadd.s32 s3, s5;
	[dreg:$0x0] =	wrdreg $0x0  }
0xa8: {  	s5 =	sshll.u32 s28, $0x1;
	[dreg:$0x2] =	wrdreg s3  }
0xa9: {  	[dreg:$0x3] =	wrdreg s5  }
0xaa: {  	[dreg:$0x4] =	wrdreg $0xC0  }
0xab: {  	_ =	task [dreg:s7], $0x5FFFF  }
0xac: {  	[dreg:$0x1] =	wrdreg $0xFFFFFFFF  }
0xad: {  	[dreg:$0x0] =	wrdreg $0x60  }
0xae: {  	[dreg:$0x2] =	wrdreg s2  }
0xaf: {  	[dreg:$0x3] =	wrdreg s24  }
0xb0: {  	[dreg:$0x4] =	wrdreg $0x28800  }
0xb1: {  	[dreg:$0x5] =	wrdreg $0x9  }
0xb2: {  	_ =	task.clear_ibuf [dreg:s7], $0x6FFFF;
	_ =	strace $0x90000046  }
0xb3: {  	s29 =	simm.s32 $0x9;
	_ =	strace $0x80000048  }
0xb4: {  	_ =	swait.ge [sflag:s29], $0x1  }
0xb5: {  	[sflag:s29] =	ssyncadd.s32 $0xFFFFFFFF  }
0xb6: {  	_ =	strace $0x90000048  }
0xb7: {  	_ =	sfence  }
0xb8: {  	s30 =	sld [smem:$0x0];
	_ =	sdelay $0x2  }
0xb9: {  	s31 =	sshll.u32 s1, $0xD;
	s1 =	sshrl.u32 s1, $0x2  }
0xba: {  	s3 =	sand.u32 $0x4000, s31;
	s1 =	sadd.s32 s1, s30  }
0xbb: {  	s0 =	sor.u32 s3, s0;
	s1 =	sshll.u32 s1, $0x11  }
0xbc: {  	s0 =	sor.u32 s1, s0  }
0xbd: {  	s0 =	sadd.s32 $0x8F2B, s0  }
0xbe: {  	[sflag:s0] =	ssyncadd.remote.s32 $0x1  }
0xbf: {  	_ =	sfence.sel $0xFFFF  }
0xc0: {  	[dreg:$0x0] =	wrdreg $0xFFFFFFFF;
	(pc) =	sbr.abs _section_cstart, $3  }
0xc1: {  	[dreg:$0x1] =	wrdreg $0xFFFFFFFF  }
0xc2: {  	_ =	task.clear_ibuf [dreg:s7], $0x2FFFF;
	_ =	strace $0x9FFFFFFF  }
0xc3: {  	(tm) =	ssettm $0x7FFFFFFF  }
tec
execute0_lowered:
.L_overlay_start_1:
0x0: {  	(tag) =	ssettag $0x1  }
0x1: {  	s6 =	rddreg [dreg:$0x0]  }
0x2: {  	s4 =	rddreg [dreg:$0x1]  }
0x3: {  	s2 =	rddreg [dreg:$0x2]  }
0x4: {  	s0 =	stileid.u32;
	s7 =	srdreg.scid  }
0x5: {  	s1 =	rddreg [dreg:$0x3];
	s3 =	simm.s32 $0x0;
	s13 =	simm.s32 $0x0  }
0x6: {  	s5 =	smul.u32 $0x280, s0;
	s7 =	sand.u32 $0x1, s7;
	[smem:$0x7FF] =	sst s3  }
0x7: {  	s11 =	sshll.u32 s0, $0x1;
	s31 =	sshll.u32 s0, $0x6;
	s9 =	smul.u32 $0x2800, s7  }
0x8: {  	_ =	strace $0x80000047;
	s10 =	ssub.s32 $0x2, s7;
	s7 =	sor.u32 s7, s11  }
0x9: {  	s11 =	simm.s32 $0x80;
	s8 =	sshrl.u32 s5, $0x3;
	s12 =	sshrl.u32 s10, $0x1  }
0xa: {  	s7 =	smul.u32 $0x500, s7;
	s30 =	sadd.s32 s5, s2;
	s8 =	sadd.s32 s8, s4  }
0xb: {  	s9 =	sadd.s32 s5, s9;
	s10 =	ssub.s32 s10, s12;
	s5 =	sor.u32 $0x1C01, s31  }
0xc: {  	s12 =	simm.s32 $0x2800;
	s9 =	sshrl.u32 s9, $0x3;
	s6 =	sadd.s32 s6, s7  }
0xd: {  	s9 =	sadd.s32 s9, s4;
	s4 =	sadd.s32 $0x1000, s8;
	s8 =	smax.u32 s10, $0x1  }
0xe: {  	v0 =	vimm.f32 $1.000000000e+00;
	s10 =	simm.s32 $0x1;
	s7 =	sadd.s32 $0x1600, s9;
	s9 =	sshrl.u32 s30, $0x3  }
.LBB2_1:
0xf: {  	[spmem:s9], [sflag:s5] =	dma.local [hbm:s4], $0x50  }
0x10: {  	_ =	swait.ge [sflag:s10], $0x50  }
0x11: {  	[sflag:s10] =	ssyncset.done $0x0  }
0x12: {  	[sflag:s10] =	ssyncadd.s32 $0xFFFFFFB0  }
0x13: {  	[tilespmem:$0x2800] =	vst v0  }
0x14: {  	[tilespmem:$0x2810] =	vst v0  }
0x15: {  	[tilespmem:$0x2820] =	vst v0  }
0x16: {  	[tilespmem:$0x2830] =	vst v0  }
0x17: {  	[tilespmem:$0x2840] =	vst v0  }
0x18: {  	[tilespmem:$0x2850] =	vst v0  }
0x19: {  	[tilespmem:$0x2860] =	vst v0  }
0x1a: {  	[tilespmem:$0x2870] =	vst v0  }
0x1b: {  	[tilespmem:s3], [sflag:$0x1] =	stream.linear.gather [hbm4b:s6+s3], $0x2800, $0x38;
	[tilespmem:$0x2B00] =	vst v63  }
0x1c: {  	_ =	swait.ge [sflag:s10], $0x2800  }
0x1d: {  	[sflag:s10] =	ssyncset.done $0x0  }
0x1e: {  	[sflag:s10] =	ssyncadd.s32 $0xFFFFD800  }
0x1f: {  	s14 =	simm.s32 $0x0;
	[bflag:$0x0] =	sbarrier.arrive $0xFFFF  }
0x20: {  	[spmem:s2] =	stream.indirect.scatter.add.f32 [tilespmem:s12], [sflag:$0x1], $0x1, s14, s11, $0xb8;
	[tilespmem:$0x2B00] =	vst v63  }
0x21: {  	_ =	swait.ge [sflag:s10], $0x80  }
0x22: {  	s14 =	simm.s32 $0x200;
	[sflag:s10] =	ssyncset.done $0x0  }
.LBB2_2:
0x23: {  	s15 =	sshra.s32 s14, $0x2;
	[sflag:s10] =	ssyncadd.s32 $0xFFFFFF80;
	p0 =	sne.s32 s14, $0x9E00  }
0x24: {  	[spmem:s2] =	stream.indirect.scatter.add.f32 [tilespmem:s12], [sflag:$0x1], $0x1, s15, s11, $0xb8;
	[tilespmem:$0x2B00] =	vst v63  }
.Ltmp0:
0x25: {  	_ = 	snop;
	(pc) =	sbr.rel @p0 .LBB2_2-.Ltmp0, $4  }
0x26: {  	_ = 	snop  }
0x27: {  	s14 =	sadd.s32 $0x200, s14  }
0x28: {  	_ =	swait.ge [sflag:s10], $0x80  }
0x29: {  	[sflag:s10] =	ssyncset.done $0x0  }
0x2a: {  	s13 =	sadd.s32 $0x1, s13  }
0x2b: {  	[sflag:s10] =	ssyncadd.s32 $0xFFFFFF80;
	p0 =	sne.s32 s13, s8  }
.Ltmp1:
0x2c: {  	[bflag:$0x0] =	sbarrier.arrive $0xFFFF;
	(pc) =	sbr.rel @p0 .LBB2_1-.Ltmp1, $4  }
0x2d: {  	[hbm:s7], [sflag:s5] =	dma.local [spmem:s9], $0x50  }
0x2e: {  	_ =	swait.ge [sflag:s10], $0x50  }
0x2f: {  	[sflag:s10] =	ssyncset.done $0x0  }
0x30: {  	[sflag:s10] =	ssyncadd.s32 $0xFFFFFFB0  }
0x31: {  	_ =	sfence.sel $0x180000  }
0x32: {  	[bflag:$0x0] =	sbarrier.arrive $0xFFFF  }
0x33: {  	p0 =	sne.s32 s0, $0x0;
	_ =	strace $0x90000047  }
0x34: {  	s0 =	sadd.s32 @!p0 $0x100000, s1;
	[bflag:$0x2] =	sbarrier.arrive $0xFFFF  }
0x35: {  	[sflag:s0] =	ssyncadd.tile.s32 @!p0 $0x1;
	_ =	shalt  }
.Lfunc_end2:
_tile_overlayer_lowered:
.L_overlay_start_2:
0x36: {  	(tag) =	ssettag $0x2  }
0x37: {  	s0 =	rddreg [dreg:$0x0];
	s2 =	stileid.u32  }
0x38: {  	s1 =	rddreg [dreg:$0x1];
	p0 =	sne.s32 s2, $0x0  }
0x39: {  	s3 =	rddreg [dreg:$0x2];
	[bflag:$0x3] =	sbarrier.arrive $0xFFFF;
	s2 =	simm.s32 @!p0 $0x1C01  }
0x3a: {  	[timem:s3], [sflag:s2] =	dma.local @!p0 [hbm:s0], s1  }
0x3b: {  	s0 =	simm.s32 @!p0 $0x1  }
0x3c: {  	_ =	swait.ge @!p0 [sflag:s0], s1  }
0x3d: {  	s1 =	ssub.s32 @!p0 $0x0, s1;
	[sflag:s0] =	ssyncset.done @!p0 $0x0  }
0x3e: {  	[sflag:s0] =	ssyncadd.s32 @!p0 s1  }
0x3f: {  	[bflag:$0x3] =	sbarrier.arrive $0xFFFF  }
0x40: {  	_ =	shalt  }

// kernel: kernel.9.cloned.1.call-start
scs
__scs_entry_jumppad:
0x0: {  	(pc) =	sbr.rel $0x88, $3  }
0x1: {  	(tag) =	ssettag $0x0;
	lr =	simm.s32 $0x1  }
0x2: {  	[smem:$0x3F9D] =	sst lr;
	_ =	strace $0xD0000000  }
0x3: {  	_ = 	snop  }
0x4: {  	_ = 	snop  }
0x5: {  	_ = 	snop  }
0x6: {  	_ = 	snop  }
0x7: {  	_ = 	snop  }
__scs_overlays_trampoline_lowered:
0x8: {  	[smem:$0x3FAC] =	sst s0  }
0x9: {  	[smem:$0x3FAD] =	sst s1  }
0xa: {  	[smem:$0x3FAE] =	sst s2  }
0xb: {  	[smem:$0x3FAF] =	sst s3  }
0xc: {  	[smem:$0x3FB0] =	sst s4  }
0xd: {  	[smem:$0x3FB1] =	sst s5  }
0xe: {  	[smem:$0x3FB2] =	sst s6  }
0xf: {  	[smem:$0x3FB3] =	sst s7  }
0x10: {  	[smem:$0x3FB4] =	sst s8  }
0x11: {  	[smem:$0x3FB5] =	sst s9;
	s0 =	simm.s32 @!p0 $0x0  }
0x12: {  	s1 =	sld [smem:$0x3F9B];
	s0 =	simm.s32 @p0 $0x1  }
0x13: {  	[smem:$0x3FB6] =	sst s0;
	s0 =	simm.s32 @!p1 $0x0  }
0x14: {  	s2 =	sld [smem:$0x3F9A];
	s0 =	simm.s32 @p1 $0x1  }
0x15: {  	[smem:$0x3FB7] =	sst s0;
	s0 =	simm.s32 @!p2 $0x0  }
0x16: {  	s3 =	sld [smem:$0x3FDB];
	s0 =	simm.s32 @p2 $0x1  }
0x17: {  	s4 =	simm.s32 $0x1BF5;
	[smem:$0x3FB9] =	sst s0  }
0x18: {  	s0 =	sld [smem:$0x3F9C];
	_ =	swait.ge [sflag:s4], $0x0  }
0x19: {  	s7 =	sld [smem:$0x3F9D]  }
0x1a: {  	s8 =	sadd.s32 $0xFFFFE003, lr  }
0x1b: {  	s9 =	sadd.s32 $0xFFFFFEF7, lr;
	s5 =	simm.s32 $0xFFFFFFFF;
	p2 =	slt.u32 s8, $0xFFFFF086  }
0x1c: {  	p1 =	slt.u32 s9, $0xF7A;
	s5 =	simm.s32 @!p2 $0x0  }
0x1d: {  	s5 =	simm.s32 @p1 $0x1;
	p0 =	seq.s32 s7, s2  }
0x1e: {  	s7 =	smul.u32 @!p0 $0xF7A, s2;
	p2 =	seq.s32 @!p0 s5, $0x0  }
0x1f: {  	s9 =	smul.u32 $0xF7A, s1;
	s8 =	simm.s32 @!p0 $0x1BF5;
	p2 =	por !p2, p0  }
0x20: {  	[sflag:s8] =	ssyncset.s32 @!p0 $0xFFFFF086;
	s6 =	sadd.s32 @!p0 s3, s7;
	s7 =	simm.s32 @!p0 $0x108  }
0x21: {  	s3 =	sadd.s32 s3, s9;
	s6 =	sadd.s32 @!p0 $0x88, s6;
	s7 =	simm.s32 @p2 $0x1082  }
0x22: {  	[simem:s7], [sflag:s8] =	dma.local @!p0 [hbm:s6], $0xF7A  }
0x23: {  	s9 =	sor.u32 $0xD0000000, s2;
	s6 =	simm.s32 $0x108;
	_ =	swait.ge @!p0 [sflag:s8], $0x0  }
0x24: {  	s3 =	sadd.s32 $0x88, s3;
	s6 =	simm.s32 @!p1 $0x1082;
	[sflag:s4] =	ssyncset.s32 $0xFFFFF086  }
0x25: {  	[simem:s6], [sflag:s4] =	dma.local [hbm:s3], $0xF7A  }
0x26: {  	[smem:$0x3F9D] =	sst s1;
	(tag) =	ssettag s2;
	_ =	strace s9  }
0x27: {  	s1 =	sld [smem:$0x3FAD]  }
0x28: {  	s2 =	sld [smem:$0x3FAE]  }
0x29: {  	s4 =	sld [smem:$0x3FB0]  }
0x2a: {  	p0 =	seq.s32 s5, $0x0;
	s5 =	sld [smem:$0x3FB1]  }
0x2b: {  	s6 =	sld [smem:$0x3FB2]  }
0x2c: {  	s7 =	sld [smem:$0x3FB3]  }
0x2d: {  	s3 =	simm.s32 $0x108;
	s8 =	sld [smem:$0x3FB4]  }
0x2e: {  	s3 =	simm.s32 @!p0 $0x1082;
	s9 =	sld [smem:$0x3FB5]  }
0x2f: {  	lr =	sadd.s32 s0, s3;
	s0 =	sld [smem:$0x3FAC]  }
0x30: {  	s3 =	sld [smem:$0x3FAF]  }
0x31: {  	[smem:$0x3FB8] =	sst s10  }
0x32: {  	s10 =	sld [smem:$0x3FB6];
	_ =	sdelay $0x3  }
0x33: {  	p0 =	seq.s32 s10, $0x1;
	s10 =	sld [smem:$0x3FB8];
	_ =	sdelay $0x3  }
0x34: {  	[smem:$0x3FB8] =	sst s10  }
0x35: {  	s10 =	sld [smem:$0x3FB7];
	_ =	sdelay $0x3  }
0x36: {  	p1 =	seq.s32 s10, $0x1;
	s10 =	sld [smem:$0x3FB8];
	_ =	sdelay $0x3  }
0x37: {  	[smem:$0x3FB8] =	sst s10  }
0x38: {  	s10 =	sld [smem:$0x3FB9]  }
0x39: {  	_ = 	snop;
	(pc) =	sbr.ind lr, $3  }
0x3a: {  	_ = 	snop  }
0x3b: {  	_ = 	snop  }
0x3c: {  	p2 =	seq.s32 s10, $0x1;
	s10 =	sld [smem:$0x3FB8]  }
0x3d: {  	_ =	shalt  }
0x3e: {  	_ =	shalt  }
0x3f: {  	_ =	shalt  }
0x40: {  	_ =	shalt  }
0x41: {  	_ =	shalt  }
0x42: {  	_ =	shalt  }
0x43: {  	_ =	shalt  }
0x44: {  	_ =	shalt  }
0x45: {  	_ =	shalt  }
0x46: {  	_ =	shalt  }
0x47: {  	_ =	shalt  }
0x48: {  	_ =	shalt  }
0x49: {  	_ =	shalt  }
0x4a: {  	_ =	shalt  }
0x4b: {  	_ =	shalt  }
0x4c: {  	_ =	shalt  }
0x4d: {  	_ =	shalt  }
0x4e: {  	_ =	shalt  }
0x4f: {  	_ =	shalt  }
0x50: {  	_ =	shalt  }
0x51: {  	_ =	shalt  }
0x52: {  	_ =	shalt  }
0x53: {  	_ =	shalt  }
0x54: {  	_ =	shalt  }
0x55: {  	_ =	shalt  }
0x56: {  	_ =	shalt  }
0x57: {  	_ =	shalt  }
0x58: {  	_ =	shalt  }
0x59: {  	_ =	shalt  }
0x5a: {  	_ =	shalt  }
0x5b: {  	_ =	shalt  }
0x5c: {  	_ =	shalt  }
0x5d: {  	_ =	shalt  }
0x5e: {  	_ =	shalt  }
0x5f: {  	_ =	shalt  }
0x60: {  	_ =	shalt  }
0x61: {  	_ =	shalt  }
0x62: {  	_ =	shalt  }
0x63: {  	_ =	shalt  }
0x64: {  	_ =	shalt  }
0x65: {  	_ =	shalt  }
0x66: {  	_ =	shalt  }
0x67: {  	_ =	shalt  }
0x68: {  	_ =	shalt  }
0x69: {  	_ =	shalt  }
0x6a: {  	_ =	shalt  }
0x6b: {  	_ =	shalt  }
0x6c: {  	_ =	shalt  }
0x6d: {  	_ =	shalt  }
0x6e: {  	_ =	shalt  }
0x6f: {  	_ =	shalt  }
0x70: {  	_ =	shalt  }
0x71: {  	_ =	shalt  }
0x72: {  	_ =	shalt  }
0x73: {  	_ =	shalt  }
0x74: {  	_ =	shalt  }
0x75: {  	_ =	shalt  }
0x76: {  	_ =	shalt  }
0x77: {  	_ =	shalt  }
0x78: {  	_ =	shalt  }
0x79: {  	_ =	shalt  }
0x7a: {  	_ =	shalt  }
0x7b: {  	_ =	shalt  }
0x7c: {  	_ =	shalt  }
0x7d: {  	_ =	shalt  }
0x7e: {  	_ =	shalt  }
0x7f: {  	_ =	shalt  }
0x80: {  	_ =	shalt  }
0x81: {  	_ =	shalt  }
0x82: {  	_ =	shalt  }
0x83: {  	_ =	shalt  }
0x84: {  	_ =	shalt  }
0x85: {  	_ =	shalt  }
0x86: {  	_ =	shalt  }
0x87: {  	_ =	shalt  }
.Lfunc_end0:
.L_simem_size_0:
called_computation.1_lowered:
.L_overlay_start_0:
0x88: {  	s2 =	sld [smem:$0x3FD9]  }
0x89: {  	s3 =	sld [smem:$0x3FFE];
	_ =	sdelay $0x1  }
0x8a: {  	s1 =	srdreg.scid  }
0x8b: {  	s0 =	sand.u32 $0x1, s1  }
0x8c: {  	s17 =	sshll.u32 s0, $0xA;
	s2 =	sadd.s32 s3, s2  }
0x8d: {  	s2 =	sadd.s32 s2, s17  }
0x8e: {  	[smem:$0x3FC4] =	sst s2  }
0x8f: {  	_ = 	snop  }
0x90: {  	s2 =	sld [smem:$0x3FD0];
	(tm) =	ssettm $0x1  }
0x91: {  	s18 =	sld [smem:$0x3FFB];
	_ =	sdelay $0x3  }
0x92: {  	_ =	strace s18  }
0x93: {  	s3 =	sld [smem:$0x3FFC];
	_ =	sdelay $0x3  }
0x94: {  	_ =	strace s3  }
0x95: {  	s3 =	sld [smem:$0x3FFD];
	_ =	sdelay $0x3  }
0x96: {  	_ =	strace s3  }
0x97: {  	_ =	strace $0x8FFFFFFF  }
0x98: {  	s19 =	sld [smem:$0x3FDB];
	_ =	sdelay $0x1  }
0x99: {  	s4 =	simm.s32 $_scs_section_size  }
0x9a: {  	s5 =	simm.s32 $_size__tile_overlayer_lowered;
	s6 =	simm.s32 $_tile_overlayer_lowered  }
0x9b: {  	s22 =	simm.s32 $0x1BFF;
	s21 =	sshll.u32 s6, $0x1;
	s3 =	sadd.s32 s4, s19  }
0x9c: {  	s7 =	simm.s32 $0x0;
	s20 =	sshll.u32 s5, $0x1;
	s5 =	sadd.s32 s21, s3  }
0x9d: {  	[timem:s7], [sflag:s22] =	dma.local [hbm:s5], s20  }
0x9e: {  	_ =	swait.ge [sflag:s22], s20  }
0x9f: {  	s4 =	ssub.s32 $0x0, s20;
	[sflag:s22] =	ssyncset.done $0x0  }
0xa0: {  	[sflag:s22] =	ssyncadd.s32 s4;
	_ =	sdelay $0x1  }
0xa1: {  	s23 =	simm.s32 $0x1B8B  }
0xa2: {  	_ =	swait.ge [sflag:s23], $0x1  }
0xa3: {  	[sflag:s23] =	ssyncset.done $0x0  }
0xa4: {  	s25 =	simm.s32 $0x1B8E;
	s24 =	sld [smem:$0x3FFE];
	[sflag:s23] =	ssyncadd.s32 $0xFFFFFFFF  }
0xa5: {  	s26 =	simm.s32 $execute0_lowered;
	[smem:$0x3FD2] =	sst s25  }
0xa6: {  	s5 =	sshll.u32 s26, $0x1;
	_ =	strace $0x80000049;
	[dreg:$0x1] =	wrdreg $0xFFFFFFFF  }
0xa7: {  	s28 =	simm.s32 $_size_execute0_lowered;
	s3 =	sadd.s32 s3, s5;
	[dreg:$0x0] =	wrdreg $0x0  }
0xa8: {  	s5 =	sshll.u32 s28, $0x1;
	[dreg:$0x2] =	wrdreg s3  }
0xa9: {  	[dreg:$0x3] =	wrdreg s5  }
0xaa: {  	[dreg:$0x4] =	wrdreg $0xC0  }
0xab: {  	_ =	task [dreg:s7], $0x5FFFF  }
0xac: {  	[dreg:$0x1] =	wrdreg $0xFFFFFFFF  }
0xad: {  	[dreg:$0x0] =	wrdreg $0x60  }
0xae: {  	[dreg:$0x2] =	wrdreg s24  }
0xaf: {  	[dreg:$0x3] =	wrdreg s2  }
0xb0: {  	[dreg:$0x4] =	wrdreg $0xBD000  }
0xb1: {  	[dreg:$0x5] =	wrdreg $0x9  }
0xb2: {  	_ =	task.clear_ibuf [dreg:s7], $0x6FFFF;
	_ =	strace $0x90000049  }
0xb3: {  	s29 =	simm.s32 $0x9;
	_ =	strace $0x8000004B  }
0xb4: {  	_ =	swait.ge [sflag:s29], $0x1  }
0xb5: {  	[sflag:s29] =	ssyncadd.s32 $0xFFFFFFFF  }
0xb6: {  	_ =	strace $0x9000004B  }
0xb7: {  	_ =	sfence  }
0xb8: {  	s30 =	sld [smem:$0x0];
	_ =	sdelay $0x2  }
0xb9: {  	s31 =	sshll.u32 s1, $0xD;
	s1 =	sshrl.u32 s1, $0x2  }
0xba: {  	s3 =	sand.u32 $0x4000, s31;
	s1 =	sadd.s32 s1, s30  }
0xbb: {  	s0 =	sor.u32 s3, s0;
	s1 =	sshll.u32 s1, $0x11  }
0xbc: {  	s0 =	sor.u32 s1, s0  }
0xbd: {  	s0 =	sadd.s32 $0x8F2B, s0  }
0xbe: {  	[sflag:s0] =	ssyncadd.remote.s32 $0x1  }
0xbf: {  	_ =	sfence.sel $0xFFFF  }
0xc0: {  	[dreg:$0x0] =	wrdreg $0xFFFFFFFF;
	(pc) =	sbr.abs _section_cstart, $3  }
0xc1: {  	[dreg:$0x1] =	wrdreg $0xFFFFFFFF  }
0xc2: {  	_ =	task.clear_ibuf [dreg:s7], $0x2FFFF;
	_ =	strace $0x9FFFFFFF  }
0xc3: {  	(tm) =	ssettm $0x7FFFFFFF  }
tec
execute0_lowered:
.L_overlay_start_1:
0x0: {  	(tag) =	ssettag $0x1  }
0x1: {  	s0 =	rddreg [dreg:$0x0]  }
0x2: {  	s12 =	rddreg [dreg:$0x1]  }
0x3: {  	s2 =	rddreg [dreg:$0x2];
	s1 =	stileid.u32  }
0x4: {  	s4 =	srdreg.scid;
	s5 =	smul.u32 $0x14000, s1  }
0x5: {  	s3 =	simm.s32 $0x0;
	s20 =	simm.s32 $0x3C00;
	s21 =	smul.u32 $0x50000, s1  }
0x6: {  	s28 =	simm.s32 $0x1;
	s29 =	simm.s32 $0x2;
	s10 =	smul.u32 $0x1400, s1  }
0x7: {  	s30 =	simm.s32 $0x0;
	s18 =	sand.u32 $0x1, s4;
	s25 =	smul.u32 $0x3C00, s1  }
0x8: {  	[smem:$0x7FF] =	sst s3;
	s4 =	sadd.s32 $0xC000, s0;
	s17 =	smul.u32 $0x780, s1  }
0x9: {  	s16 =	sadd.s32 $0x2000, s0;
	s22 =	sshll.u32 s1, $0x6;
	s31 =	smul.u32 $0x280, s1  }
0xa: {  	s6 =	smul.u32 $0x140000, s18;
	_ =	strace $0x8000004A;
	s8 =	ssub.s32 $0x2, s18  }
0xb: {  	p0 =	seq.s32 s18, $0x0;
	s7 =	sshrl.u32 s5, $0x3;
	s9 =	sshrl.u32 s8, $0x1  }
0xc: {  	s23 =	sshrl.u32 s10, $0x3;
	s11 =	sshrl.u32 s25, $0x3;
	s10 =	sadd.s32 $0x33100, s0  }
0xd: {  	s25 =	simm.s32 $0x4;
	s5 =	sadd.s32 s5, s6;
	s7 =	sadd.s32 s7, s0  }
0xe: {  	s6 =	sshrl.u32 s21, $0x2;
	s15 =	ssub.s32 s8, s9;
	s24 =	sadd.s32 $0x7800, s23  }
0xf: {  	s9 =	sadd.s32 s16, s23;
	s11 =	sadd.s32 s16, s11;
	s21 =	simm.s32 $0x3C80  }
0x10: {  	s23 =	simm.s32 $0x80;
	s5 =	sshrl.u32 s5, $0x3;
	s19 =	sadd.s32 s6, s2  }
0x11: {  	s6 =	sor.u32 $0x1C05, s22;
	s26 =	sadd.s32 s12, s24;
	s8 =	sadd.s32 s16, s24  }
0x12: {  	s9 =	sadd.s32 $0x7810, s9;
	s12 =	sadd.s32 s12, s17;
	s13 =	sadd.s32 $0x10, s11  }
.Ltmp0:
0x13: {  	s15 =	smax.u32 s15, $0x1;
	s17 =	sadd.s32 s17, s16;
	(pc) =	sbr.rel .LBB2_1-.Ltmp0, $4  }
0x14: {  	s22 =	simm.s32 $0x3;
	s24 =	simm.s32 $0x3D00;
	s14 =	sadd.s32 s5, s0  }
0x15: {  	s5 =	sadd.s32 $0x5A200, s7;
	[dreg:$0x4] =	wrdreg s26;
	s0 =	sadd.s32 s31, s16  }
0x16: {  	s17 =	sadd.s32 $0x30, s17;
	s18 =	sshrl.u32 s19, $0x3;
	s19 =	simm.s32 $0x5  }
0x17: {  	s26 =	simm.s32 $0x7D00;
	s14 =	sadd.s32 $0x82200, s14;
	s16 =	sadd.s32 $0x7830, s0  }
.LBB2_7:
0x18: {  	[tilespmem:s26], [sflag:$0x2] =	stream.indirect.gather [hbm4b:s4+s23], $0x80, s21, s23, $0xb8;
	[tilespmem:$0x1FD00] =	vst v63  }
0x19: {  	s0 =	simm.s32 $0x3B80;
	s31 =	simm.s32 $0x3B00  }
.LBB2_8:
0x1a: {  	_ =	swait.ge [sflag:s28], $0x4000  }
0x1b: {  	[sflag:s28] =	ssyncset.done $0x0  }
0x1c: {  	[sflag:s28] =	ssyncadd.s32 $0xFFFFC000  }
0x1d: {  	[spmem:s2] =	stream.indirect.scatter.add.f32 [tilespmem:s24], [sflag:$0x5], $0x80, s31, s23, $0xb8;
	[tilespmem:$0x1FD00] =	vst v63  }
0x1e: {  	_ =	swait.ge [sflag:s19], $0x4000  }
0x1f: {  	[sflag:s19] =	ssyncset.done $0x0  }
0x20: {  	[sflag:s19] =	ssyncadd.s32 $0xFFFFC000  }
0x21: {  	_ =	swait.ge [sflag:s29], $0x4000  }
0x22: {  	[sflag:s29] =	ssyncset.done $0x0  }
0x23: {  	[sflag:s29] =	ssyncadd.s32 $0xFFFFC000  }
0x24: {  	[spmem:s2] =	stream.indirect.scatter.add.f32 [tilespmem:s26], [sflag:$0x5], $0x80, s0, s23, $0xb8;
	[tilespmem:$0x1FD00] =	vst v63  }
0x25: {  	_ =	swait.ge [sflag:s19], $0x4000  }
0x26: {  	s30 =	sadd.s32 $0x1, s30;
	[sflag:s19] =	ssyncset.done $0x0  }
0x27: {  	p1 =	sne.s32 s30, s15;
	[sflag:s19] =	ssyncadd.s32 $0xFFFFC000  }
.Ltmp1:
0x28: {  	[bflag:$0x0] =	sbarrier.arrive $0xFFFF;
	(pc) =	sbr.rel @!p1 .LBB2_9-.Ltmp1, $4  }
0x29: {  	[hbm:s14], [sflag:s6] =	dma.local [spmem:s18], $0x2800  }
0x2a: {  	_ =	swait.ge [sflag:s19], $0x2800  }
0x2b: {  	[sflag:s19] =	ssyncset.done $0x0  }
0x2c: {  	[sflag:s19] =	ssyncadd.s32 $0xFFFFD800  }
.LBB2_1:
.Ltmp2:
0x2d: {  	(pc) =	sbr.rel @!p0 .LBB2_2-.Ltmp2, $4  }
0x2e: {  	[spmem:s18], [sflag:s6] =	dma.local [hbm:s5], $0x2800  }
0x2f: {  	_ =	swait.ge [sflag:s19], $0x2800  }
0x30: {  	[sflag:s19] =	ssyncset.done $0x0  }
0x31: {  	s0 =	simm.s32 $0x0;
	[sflag:s19] =	ssyncadd.s32 $0xFFFFD800  }
0x32: {  	[tilespmem:s0], [sflag:$0x5] =	stream.linear.gather [hbm4b:s12+s0], $0x3C00, $0x38;
	[tilespmem:$0x1FD00] =	vst v63  }
0x33: {  	_ =	swait.ge [sflag:s19], $0x3C00  }
0x34: {  	[sflag:s19] =	ssyncset.done $0x0  }
0x35: {  	[sflag:s19] =	ssyncadd.s32 $0xFFFFC400  }
0x36: {  	[bflag:$0x0] =	sbarrier.arrive $0xFFFF  }
0x37: {  	[tilespmem:s20], [sflag:$0x3] =	stream.linear.gather [hbm4b:s11+s0], $0x80, $0x38;
	[tilespmem:$0x1FD00] =	vst v63  }
0x38: {  	_ = 	snop  }
0x39: {  	[tilespmem:s21], [sflag:$0x4] =	stream.linear.gather [hbm4b:s13+s0], $0x80, $0x38;
	[tilespmem:$0x1FD00] =	vst v63  }
0x3a: {  	_ =	swait.ge [sflag:s22], $0x80  }
0x3b: {  	[sflag:s22] =	ssyncset.done $0x0  }
0x3c: {  	[sflag:s22] =	ssyncadd.s32 $0xFFFFFF80  }
0x3d: {  	[tilespmem:s24], [sflag:$0x1] =	stream.indirect.gather [hbm4b:s4+s23], $0x80, s20, s23, $0xb8;
	[tilespmem:$0x1FD00] =	vst v63  }
0x3e: {  	_ =	swait.ge [sflag:s25], $0x80  }
0x3f: {  	[sflag:s25] =	ssyncset.done $0x0  }
0x40: {  	[sflag:s25] =	ssyncadd.s32 $0xFFFFFF80  }
0x41: {  	[tilespmem:s26], [sflag:$0x2] =	stream.indirect.gather [hbm4b:s4+s23], $0x80, s21, s23, $0xb8;
	[tilespmem:$0x1FD00] =	vst v63  }
0x42: {  	_ =	swait.ge [sflag:s28], $0x4000  }
0x43: {  	[sflag:s28] =	ssyncset.done $0x0  }
0x44: {  	s7 =	sadd.s32 $0xFFFFFFF0, s17;
	[sflag:s28] =	ssyncadd.s32 $0xFFFFC000  }
0x45: {  	[tilespmem:s20], [sflag:$0x3] =	stream.linear.gather [hbm4b:s7+s3], $0x80, $0x38;
	[tilespmem:$0x1FD00] =	vst v63  }
0x46: {  	s1 =	simm.s32 $0x0  }
0x47: {  	[spmem:s2] =	stream.indirect.scatter.add.f32 [tilespmem:s24], [sflag:$0x5], $0x80, s1, s23, $0xb8;
	[tilespmem:$0x1FD00] =	vst v63  }
0x48: {  	_ =	swait.ge [sflag:s19], $0x4000  }
0x49: {  	[sflag:s19] =	ssyncset.done $0x0  }
0x4a: {  	[sflag:s19] =	ssyncadd.s32 $0xFFFFC000  }
0x4b: {  	_ =	swait.ge [sflag:s22], $0x80  }
0x4c: {  	[sflag:s22] =	ssyncset.done $0x0  }
0x4d: {  	[sflag:s22] =	ssyncadd.s32 $0xFFFFFF80  }
0x4e: {  	[tilespmem:s24], [sflag:$0x1] =	stream.indirect.gather [hbm4b:s4+s23], $0x80, s20, s23, $0xb8;
	[tilespmem:$0x1FD00] =	vst v63  }
0x4f: {  	_ =	swait.ge [sflag:s29], $0x4000  }
0x50: {  	[sflag:s29] =	ssyncset.done $0x0  }
0x51: {  	[sflag:s29] =	ssyncadd.s32 $0xFFFFC000  }
0x52: {  	[tilespmem:s21], [sflag:$0x4] =	stream.linear.gather [hbm4b:s17+s3], $0x80, $0x38;
	[tilespmem:$0x1FD00] =	vst v63  }
0x53: {  	s7 =	simm.s32 $0x80  }
0x54: {  	[spmem:s2] =	stream.indirect.scatter.add.f32 [tilespmem:s26], [sflag:$0x5], $0x80, s7, s23, $0xb8;
	[tilespmem:$0x1FD00] =	vst v63  }
0x55: {  	p1 =	por $0x0, $0x0;
	_ =	swait.ge [sflag:s19], $0x4000  }
.Ltmp3:
0x56: {  	[sflag:s19] =	ssyncset.done $0x0;
	(pc) =	sbr.rel @p1 .LBB2_7-.Ltmp3, $4  }
0x57: {  	[sflag:s19] =	ssyncadd.s32 $0xFFFFC000  }
0x58: {  	_ =	swait.ge [sflag:s25], $0x80  }
0x59: {  	[sflag:s25] =	ssyncset.done $0x0  }
0x5a: {  	s31 =	simm.s32 $0x400;
	s0 =	sadd.s32 $0x20, s17;
	[sflag:s25] =	ssyncadd.s32 $0xFFFFFF80  }
.LBB2_6:
0x5b: {  	[tilespmem:s26], [sflag:$0x2] =	stream.indirect.gather [hbm4b:s4+s23], $0x80, s21, s23, $0xb8;
	[tilespmem:$0x1FD00] =	vst v63  }
0x5c: {  	s1 =	smov.u32 s31  }
0x5d: {  	p1 =	seq.s32 s31, $0xE800;
	s31 =	sadd.s32 $0x400, s31;
	_ =	swait.ge [sflag:s28], $0x4000  }
0x5e: {  	[sflag:s28] =	ssyncset.done $0x0  }
0x5f: {  	s7 =	sadd.s32 $0xFFFFFFF0, s0;
	[sflag:s28] =	ssyncadd.s32 $0xFFFFC000  }
0x60: {  	[tilespmem:s20], [sflag:$0x3] =	stream.linear.gather [hbm4b:s7+s3], $0x80, $0x38;
	[tilespmem:$0x1FD00] =	vst v63  }
0x61: {  	s1 =	sshra.s32 s1, $0x2  }
0x62: {  	[spmem:s2] =	stream.indirect.scatter.add.f32 [tilespmem:s24], [sflag:$0x5], $0x80, s1, s23, $0xb8;
	[tilespmem:$0x1FD00] =	vst v63  }
0x63: {  	_ =	swait.ge [sflag:s19], $0x4000  }
0x64: {  	[sflag:s19] =	ssyncset.done $0x0  }
0x65: {  	[sflag:s19] =	ssyncadd.s32 $0xFFFFC000  }
0x66: {  	_ =	swait.ge [sflag:s22], $0x80  }
0x67: {  	[sflag:s22] =	ssyncset.done $0x0  }
0x68: {  	[sflag:s22] =	ssyncadd.s32 $0xFFFFFF80  }
0x69: {  	[tilespmem:s24], [sflag:$0x1] =	stream.indirect.gather [hbm4b:s4+s23], $0x80, s20, s23, $0xb8;
	[tilespmem:$0x1FD00] =	vst v63  }
0x6a: {  	_ =	swait.ge [sflag:s29], $0x4000  }
0x6b: {  	[sflag:s29] =	ssyncset.done $0x0  }
0x6c: {  	[sflag:s29] =	ssyncadd.s32 $0xFFFFC000  }
0x6d: {  	[tilespmem:s21], [sflag:$0x4] =	stream.linear.gather [hbm4b:s0+s3], $0x80, $0x38;
	[tilespmem:$0x1FD00] =	vst v63  }
0x6e: {  	s1 =	sadd.s32 $0x80, s1  }
0x6f: {  	[spmem:s2] =	stream.indirect.scatter.add.f32 [tilespmem:s26], [sflag:$0x5], $0x80, s1, s23, $0xb8;
	[tilespmem:$0x1FD00] =	vst v63  }
0x70: {  	_ =	swait.ge [sflag:s19], $0x4000  }
.Ltmp4:
0x71: {  	[sflag:s19] =	ssyncset.done $0x0;
	(pc) =	sbr.rel @!p1 .LBB2_6-.Ltmp4, $4  }
0x72: {  	[sflag:s19] =	ssyncadd.s32 $0xFFFFC000  }
0x73: {  	_ =	swait.ge [sflag:s25], $0x80  }
0x74: {  	[sflag:s25] =	ssyncset.done $0x0  }
0x75: {  	s0 =	sadd.s32 $0x20, s0;
	[sflag:s25] =	ssyncadd.s32 $0xFFFFFF80  }
.Ltmp5:
0x76: {  	_ = 	snop;
	(pc) =	sbr.rel .LBB2_7-.Ltmp5, $1  }
0x77: {  	_ =	sdelay $0x3  }
.LBB2_2:
0x78: {  	s1 =	rddreg [dreg:$0x4]  }
0x79: {  	[tilespmem:s0], [sflag:$0x5] =	stream.linear.gather [hbm4b:s1+s0], $0x1400, $0x38;
	[tilespmem:$0x1FD00] =	vst v63  }
0x7a: {  	_ =	swait.ge [sflag:s19], $0x1400  }
0x7b: {  	[sflag:s19] =	ssyncset.done $0x0  }
0x7c: {  	[sflag:s19] =	ssyncadd.s32 $0xFFFFEC00  }
0x7d: {  	[bflag:$0x0] =	sbarrier.arrive $0xFFFF  }
0x7e: {  	[tilespmem:s20], [sflag:$0x3] =	stream.linear.gather [hbm4b:s8+s0], $0x80, $0x38;
	[tilespmem:$0x1FD00] =	vst v63  }
0x7f: {  	_ = 	snop  }
0x80: {  	[tilespmem:s21], [sflag:$0x4] =	stream.linear.gather [hbm4b:s9+s0], $0x80, $0x38;
	[tilespmem:$0x1FD00] =	vst v63  }
0x81: {  	_ =	swait.ge [sflag:s22], $0x80  }
0x82: {  	[sflag:s22] =	ssyncset.done $0x0  }
0x83: {  	[sflag:s22] =	ssyncadd.s32 $0xFFFFFF80  }
0x84: {  	[tilespmem:s24], [sflag:$0x1] =	stream.indirect.gather [hbm4b:s10+s23], $0x80, s20, s23, $0xb8;
	[tilespmem:$0x1FD00] =	vst v63  }
0x85: {  	_ =	swait.ge [sflag:s25], $0x80  }
0x86: {  	[sflag:s25] =	ssyncset.done $0x0  }
0x87: {  	[sflag:s25] =	ssyncadd.s32 $0xFFFFFF80  }
0x88: {  	[tilespmem:s26], [sflag:$0x2] =	stream.indirect.gather [hbm4b:s10+s23], $0x80, s21, s23, $0xb8;
	[tilespmem:$0x1FD00] =	vst v63  }
0x89: {  	_ =	swait.ge [sflag:s28], $0x4000  }
0x8a: {  	[sflag:s28] =	ssyncset.done $0x0  }
0x8b: {  	s7 =	sadd.s32 $0xFFFFFFF0, s16;
	[sflag:s28] =	ssyncadd.s32 $0xFFFFC000  }
0x8c: {  	[tilespmem:s20], [sflag:$0x3] =	stream.linear.gather [hbm4b:s7+s3], $0x80, $0x38;
	[tilespmem:$0x1FD00] =	vst v63  }
0x8d: {  	s1 =	simm.s32 $0x0  }
0x8e: {  	[spmem:s2] =	stream.indirect.scatter.add.f32 [tilespmem:s24], [sflag:$0x5], $0x80, s1, s23, $0xb8;
	[tilespmem:$0x1FD00] =	vst v63  }
0x8f: {  	_ =	swait.ge [sflag:s19], $0x4000  }
0x90: {  	[sflag:s19] =	ssyncset.done $0x0  }
0x91: {  	[sflag:s19] =	ssyncadd.s32 $0xFFFFC000  }
0x92: {  	_ =	swait.ge [sflag:s22], $0x80  }
0x93: {  	[sflag:s22] =	ssyncset.done $0x0  }
0x94: {  	[sflag:s22] =	ssyncadd.s32 $0xFFFFFF80  }
0x95: {  	[tilespmem:s24], [sflag:$0x1] =	stream.indirect.gather [hbm4b:s10+s23], $0x80, s20, s23, $0xb8;
	[tilespmem:$0x1FD00] =	vst v63  }
0x96: {  	_ =	swait.ge [sflag:s29], $0x4000  }
0x97: {  	[sflag:s29] =	ssyncset.done $0x0  }
0x98: {  	[sflag:s29] =	ssyncadd.s32 $0xFFFFC000  }
0x99: {  	[tilespmem:s21], [sflag:$0x4] =	stream.linear.gather [hbm4b:s16+s3], $0x80, $0x38;
	[tilespmem:$0x1FD00] =	vst v63  }
0x9a: {  	s7 =	simm.s32 $0x80  }
0x9b: {  	[spmem:s2] =	stream.indirect.scatter.add.f32 [tilespmem:s26], [sflag:$0x5], $0x80, s7, s23, $0xb8;
	[tilespmem:$0x1FD00] =	vst v63  }
0x9c: {  	_ =	swait.ge [sflag:s19], $0x4000  }
0x9d: {  	[sflag:s19] =	ssyncset.done $0x0  }
0x9e: {  	[sflag:s19] =	ssyncadd.s32 $0xFFFFC000  }
0x9f: {  	_ =	swait.ge [sflag:s25], $0x80  }
0xa0: {  	[sflag:s25] =	ssyncset.done $0x0  }
0xa1: {  	s31 =	sadd.s32 $0x20, s16;
	s0 =	simm.s32 $0x400;
	[sflag:s25] =	ssyncadd.s32 $0xFFFFFF80  }
.LBB2_3:
0xa2: {  	[tilespmem:s26], [sflag:$0x2] =	stream.indirect.gather [hbm4b:s10+s23], $0x80, s21, s23, $0xb8;
	[tilespmem:$0x1FD00] =	vst v63  }
0xa3: {  	s1 =	smov.u32 s0  }
0xa4: {  	p1 =	sne.s32 s0, $0x4800;
	s0 =	sadd.s32 $0x400, s0;
	_ =	swait.ge [sflag:s28], $0x4000  }
0xa5: {  	[sflag:s28] =	ssyncset.done $0x0  }
0xa6: {  	s7 =	sadd.s32 $0xFFFFFFF0, s31;
	[sflag:s28] =	ssyncadd.s32 $0xFFFFC000  }
0xa7: {  	[tilespmem:s20], [sflag:$0x3] =	stream.linear.gather [hbm4b:s7+s3], $0x80, $0x38;
	[tilespmem:$0x1FD00] =	vst v63  }
0xa8: {  	s1 =	sshra.s32 s1, $0x2  }
0xa9: {  	[spmem:s2] =	stream.indirect.scatter.add.f32 [tilespmem:s24], [sflag:$0x5], $0x80, s1, s23, $0xb8;
	[tilespmem:$0x1FD00] =	vst v63  }
0xaa: {  	_ =	swait.ge [sflag:s19], $0x4000  }
0xab: {  	[sflag:s19] =	ssyncset.done $0x0  }
0xac: {  	[sflag:s19] =	ssyncadd.s32 $0xFFFFC000  }
0xad: {  	_ =	swait.ge [sflag:s22], $0x80  }
0xae: {  	[sflag:s22] =	ssyncset.done $0x0  }
0xaf: {  	[sflag:s22] =	ssyncadd.s32 $0xFFFFFF80  }
0xb0: {  	[tilespmem:s24], [sflag:$0x1] =	stream.indirect.gather [hbm4b:s10+s23], $0x80, s20, s23, $0xb8;
	[tilespmem:$0x1FD00] =	vst v63  }
0xb1: {  	_ =	swait.ge [sflag:s29], $0x4000  }
0xb2: {  	[sflag:s29] =	ssyncset.done $0x0  }
0xb3: {  	[sflag:s29] =	ssyncadd.s32 $0xFFFFC000  }
0xb4: {  	[tilespmem:s21], [sflag:$0x4] =	stream.linear.gather [hbm4b:s31+s3], $0x80, $0x38;
	[tilespmem:$0x1FD00] =	vst v63  }
0xb5: {  	s1 =	sadd.s32 $0x80, s1  }
0xb6: {  	[spmem:s2] =	stream.indirect.scatter.add.f32 [tilespmem:s26], [sflag:$0x5], $0x80, s1, s23, $0xb8;
	[tilespmem:$0x1FD00] =	vst v63  }
0xb7: {  	_ =	swait.ge [sflag:s19], $0x4000  }
.Ltmp6:
0xb8: {  	[sflag:s19] =	ssyncset.done $0x0;
	(pc) =	sbr.rel @p1 .LBB2_3-.Ltmp6, $4  }
0xb9: {  	[sflag:s19] =	ssyncadd.s32 $0xFFFFC000  }
0xba: {  	_ =	swait.ge [sflag:s25], $0x80  }
0xbb: {  	[sflag:s25] =	ssyncset.done $0x0  }
0xbc: {  	s31 =	sadd.s32 $0x20, s31;
	[sflag:s25] =	ssyncadd.s32 $0xFFFFFF80  }
.Ltmp7:
0xbd: {  	(pc) =	sbr.rel .LBB2_8-.Ltmp7, $3  }
0xbe: {  	_ =	sdelay $0x1  }
0xbf: {  	[tilespmem:s26], [sflag:$0x2] =	stream.indirect.gather [hbm4b:s10+s23], $0x80, s21, s23, $0xb8;
	[tilespmem:$0x1FD00] =	vst v63  }
0xc0: {  	s0 =	simm.s32 $0x1380;
	s31 =	simm.s32 $0x1300  }
.LBB2_9:
0xc1: {  	_ =	sfence.sel $0x180000  }
0xc2: {  	[bflag:$0x0] =	sbarrier.arrive $0xFFFF  }
0xc3: {  	_ =	strace $0x9000004A  }
0xc4: {  	s0 =	stileid.u32;
	[bflag:$0x2] =	sbarrier.arrive $0xFFFF  }
0xc5: {  	p0 =	sne.s32 s0, $0x0;
	s0 =	rddreg [dreg:$0x3]  }
0xc6: {  	s0 =	sadd.s32 @!p0 $0x100000, s0  }
0xc7: {  	[sflag:s0] =	ssyncadd.tile.s32 @!p0 $0x1;
	_ =	shalt  }
.Lfunc_end2:
_tile_overlayer_lowered:
.L_overlay_start_2:
0xc8: {  	(tag) =	ssettag $0x2  }
0xc9: {  	s0 =	rddreg [dreg:$0x0];
	s2 =	stileid.u32  }
0xca: {  	s1 =	rddreg [dreg:$0x1];
	p0 =	sne.s32 s2, $0x0  }
0xcb: {  	s3 =	rddreg [dreg:$0x2];
	[bflag:$0x3] =	sbarrier.arrive $0xFFFF;
	s2 =	simm.s32 @!p0 $0x1C05  }
0xcc: {  	[timem:s3], [sflag:s2] =	dma.local @!p0 [hbm:s0], s1  }
0xcd: {  	s0 =	simm.s32 @!p0 $0x5  }
0xce: {  	_ =	swait.ge @!p0 [sflag:s0], s1  }
0xcf: {  	s1 =	ssub.s32 @!p0 $0x0, s1;
	[sflag:s0] =	ssyncset.done @!p0 $0x0  }
0xd0: {  	[sflag:s0] =	ssyncadd.s32 @!p0 s1  }
0xd1: {  	[bflag:$0x3] =	sbarrier.arrive $0xFFFF  }
0xd2: {  	_ =	shalt  }

</sc_bundles>
